<compile_context>
chip_gen: v7x
topology: tpu7x:2x2x1
jax: 0.10.2.dev20260603
libtpu: 0.0.44.dev20260713+nightly
codegen_flags: <defaults>
</compile_context>

<pallas_src>
import functools

import jax
import jax.numpy as jnp
from jax import lax
from jax.experimental import pallas as pl
from jax.experimental.pallas import tpu as pltpu
from jax.experimental.pallas import tpu_sc as plsc

N = 50000
E = 800000
G = 2048
P = 16384
IN = 75
H = 64

NSC = 2
NTEC = 16
ROWS_TEC = 1568
ROWS_SC = NTEC * ROWS_TEC
NPAD = NSC * ROWS_SC
ACC_ROWS = ROWS_SC + 8
CH = 128
NCHUNK = 391
EPT = NCHUNK * CH
EPAD = EPT * NTEC

HE = H + 16
GP = G + 16

BLK = 1024
BLKD = 512
HI = lax.Precision.HIGHEST

_SC_PARAMS = pltpu.CompilerParams(use_tc_tiling_on_sc=False,
                                  needs_layout_passes=False)
_SC_MESH = dict(core_axis_name="c", subcore_axis_name="s")


def _h_body(x_ref, w_ref, b_ref, o_ref):
    o_ref[...] = jnp.dot(x_ref[...], w_ref[...], precision=HI) + b_ref[...]


def _init_transform(xp, W, b):
    return pl.pallas_call(
        _h_body,
        grid=(NPAD // BLK,),
        in_specs=[pl.BlockSpec((BLK, IN), lambda i: (i, 0)),
                  pl.BlockSpec((IN, H), lambda i: (0, 0)),
                  pl.BlockSpec((1, H), lambda i: (0, 0))],
        out_specs=pl.BlockSpec((BLK, H), lambda i: (i, 0)),
        out_shape=jax.ShapeDtypeStruct((NPAD, H), jnp.float32),
    )(xp, W, b.reshape(1, H))


def _seg_sum_sc(h_pad, src_pad, dst_pad, zrows):
    mesh = plsc.VectorSubcoreMesh(**_SC_MESH)

    @functools.partial(
        pl.kernel,
        mesh=mesh,
        compiler_params=_SC_PARAMS,
        out_type=jax.ShapeDtypeStruct((NPAD, H), jnp.float32),
        scratch_types=[
            pltpu.VMEM((CH,), jnp.int32),
            pltpu.VMEM((CH,), jnp.int32),
            pltpu.VMEM((2 * CH + 32,), jnp.int32),
            pltpu.VMEM((2 * CH + 32,), jnp.int32),
            pltpu.VMEM((CH, H), jnp.float32),
            pltpu.VMEM_SHARED((ACC_ROWS, H), jnp.float32),
            pltpu.SemaphoreType.DMA,
        ],
    )
    def k(h_hbm, src_hbm, dst_hbm, z_hbm, out_hbm,
          src_v, dst_v, psrc, pdstl, rows_v, acc, sem):
        c = lax.axis_index("c")
        s = lax.axis_index("s")
        base = c * ROWS_SC

        pltpu.sync_copy(z_hbm, acc.at[pl.ds(s * ROWS_TEC, ROWS_TEC)])

        @pl.when(s == 0)
        def _():
            pltpu.sync_copy(z_hbm.at[pl.ds(0, 8)], acc.at[pl.ds(ROWS_SC, 8)])

        plsc.subcore_barrier()

        def fire():
            pltpu.async_copy(h_hbm.at[psrc.at[pl.ds(0, CH)]], rows_v,
                             sem).wait()
            pltpu.sync_copy(rows_v, acc.at[pdstl.at[pl.ds(0, CH)]], add=True)
            for j in range(CH // 16):
                psrc[pl.ds(j * 16, 16)] = psrc[pl.ds(CH + j * 16, 16)]
                pdstl[pl.ds(j * 16, 16)] = pdstl[pl.ds(CH + j * 16, 16)]

        def body(i, n):
            off = s * EPT + i * CH
            pltpu.sync_copy(src_hbm.at[pl.ds(off, CH)], src_v)
            pltpu.sync_copy(dst_hbm.at[pl.ds(off, CH)], dst_v)
            lane = lax.iota(jnp.int32, 16)
            for j in range(CH // 16):
                d = dst_v[pl.ds(j * 16, 16)]
                m = (d >= base) & (d < base + ROWS_SC)
                mi = m.astype(jnp.int32)
                cum = plsc.cumsum(mi)
                pos = jnp.where(m, n + cum - 1, 2 * CH + lane)
                plsc.store_scatter(psrc, [pos], src_v[pl.ds(j * 16, 16)])
                plsc.store_scatter(pdstl, [pos], d - base)
                n = n + jnp.sum(mi)

            def do_fire(nn):
                fire()
                return nn - CH

            return lax.cond(n >= CH, do_fire, lambda nn: nn, n)

        n = lax.fori_loop(0, NCHUNK, body, 0)
        for j in range(CH // 16):
            psrc[pl.ds(n + j * 16, 16)] = jnp.zeros((16,), jnp.int32)
            pdstl[pl.ds(n + j * 16, 16)] = jnp.full((16,), ROWS_SC, jnp.int32)
        fire()
        plsc.subcore_barrier()
        pltpu.sync_copy(acc.at[pl.ds(s * ROWS_TEC, ROWS_TEC)],
                        out_hbm.at[pl.ds(base + s * ROWS_TEC, ROWS_TEC)])

    return k(h_pad, src_pad, dst_pad, zrows)


def _h2_body(agg_ref, h_ref, wl_ref, bl_ref, wr_ref, o_ref):
    h2 = (jnp.dot(agg_ref[...], wl_ref[...], precision=HI) + bl_ref[...]
          + jnp.dot(h_ref[...], wr_ref[...], precision=HI))
    ext = (lax.broadcasted_iota(jnp.int32, (BLK, HE - H), 1) == 0
           ).astype(jnp.float32)
    o_ref[...] = jnp.concatenate([h2, ext], axis=1)


def _h2_ext(aggp, hp, W_l, b_l, W_r):
    return pl.pallas_call(
        _h2_body,
        grid=(NPAD // BLK,),
        in_specs=[pl.BlockSpec((BLK, H), lambda i: (i, 0)),
                  pl.BlockSpec((BLK, H), lambda i: (i, 0)),
                  pl.BlockSpec((H, H), lambda i: (0, 0)),
                  pl.BlockSpec((1, H), lambda i: (0, 0)),
                  pl.BlockSpec((H, H), lambda i: (0, 0))],
        out_specs=pl.BlockSpec((BLK, HE), lambda i: (i, 0)),
        out_shape=jax.ShapeDtypeStruct((NPAD, HE), jnp.float32),
    )(aggp, hp, W_l, b_l.reshape(1, H), W_r)


def _pool_sc(h2e, batch_pad, zpool):
    mesh = plsc.VectorSubcoreMesh(**_SC_MESH)
    n_full = ROWS_TEC // CH
    tail = ROWS_TEC - n_full * CH

    @functools.partial(
        pl.kernel,
        mesh=mesh,
        compiler_params=_SC_PARAMS,
        out_type=jax.ShapeDtypeStruct((NSC, G, HE), jnp.float32),
        scratch_types=[
            pltpu.VMEM((CH,), jnp.int32),
            pltpu.VMEM((CH, HE), jnp.float32),
            pltpu.VMEM((tail,), jnp.int32),
            pltpu.VMEM((tail, HE), jnp.float32),
            pltpu.VMEM_SHARED((GP, HE), jnp.float32),
        ],
    )
    def k(h2_hbm, b_hbm, z_hbm, out_hbm, bidx, rows, bidx2, rows2, gs):
        c = lax.axis_index("c")
        s = lax.axis_index("s")

        pltpu.sync_copy(z_hbm, gs.at[pl.ds(s * (GP // NTEC), GP // NTEC)])
        plsc.subcore_barrier()

        def body(i, carry):
            off = (c * NTEC + s) * ROWS_TEC + i * CH
            pltpu.sync_copy(h2_hbm.at[pl.ds(off, CH)], rows)
            pltpu.sync_copy(b_hbm.at[pl.ds(off, CH)], bidx)
            pltpu.sync_copy(rows, gs.at[bidx], add=True)
            return carry

        lax.fori_loop(0, n_full, body, 0)
        off = (c * NTEC + s) * ROWS_TEC + n_full * CH
        pltpu.sync_copy(h2_hbm.at[pl.ds(off, tail)], rows2)
        pltpu.sync_copy(b_hbm.at[pl.ds(off, tail)], bidx2)
        pltpu.sync_copy(rows2, gs.at[bidx2], add=True)
        plsc.subcore_barrier()
        pltpu.sync_copy(gs.at[pl.ds(s * (G // NTEC), G // NTEC)],
                        out_hbm.at[c, pl.ds(s * (G // NTEC), G // NTEC)])

    return k(h2e, batch_pad, zpool)


def _g_body(a_ref, b_ref, g_ref):
    p = a_ref[...] + b_ref[...]
    g_ref[...] = p[:, :H] / jnp.maximum(p[:, H:H + 1], 1.0)


def _g_combine(p0, p1):
    return pl.pallas_call(
        _g_body,
        in_specs=[pl.BlockSpec((G, HE), lambda: (0, 0)),
                  pl.BlockSpec((G, HE), lambda: (0, 0))],
        out_specs=pl.BlockSpec((G, H), lambda: (0, 0)),
        out_shape=jax.ShapeDtypeStruct((G, H), jnp.float32),
    )(p0, p1)


def _pair_gather_sc(g, i0, i1):
    mesh = plsc.VectorSubcoreMesh(**_SC_MESH)
    per_w = P // (NSC * NTEC)
    n_ch = per_w // CH

    @functools.partial(
        pl.kernel,
        mesh=mesh,
        compiler_params=_SC_PARAMS,
        out_type=(jax.ShapeDtypeStruct((P, H), jnp.float32),
                  jax.ShapeDtypeStruct((P, H), jnp.float32)),
        scratch_types=[
            pltpu.VMEM((CH,), jnp.int32),
            pltpu.VMEM((CH, H), jnp.float32),
            pltpu.SemaphoreType.DMA,
        ],
    )
    def k(g_hbm, i0_hbm, i1_hbm, x1_hbm, x2_hbm, idx_v, rows, sem):
        c = lax.axis_index("c")
        s = lax.axis_index("s")
        w = c * NTEC + s

        def body(i, carry):
            off = w * per_w + i * CH
            pltpu.sync_copy(i0_hbm.at[pl.ds(off, CH)], idx_v)
            pltpu.async_copy(g_hbm.at[idx_v], rows, sem).wait()
            pltpu.sync_copy(rows, x1_hbm.at[pl.ds(off, CH)])
            pltpu.sync_copy(i1_hbm.at[pl.ds(off, CH)], idx_v)
            pltpu.async_copy(g_hbm.at[idx_v], rows, sem).wait()
            pltpu.sync_copy(rows, x2_hbm.at[pl.ds(off, CH)])
            return carry

        lax.fori_loop(0, n_ch, body, 0)

    return k(g, i0, i1)


def _decoder_body(x1_ref, x2_ref, ce1, ce2, co1, co2, be_ref,
                  w1, b1r, w2, b2r, o_ref):
    x1 = x1_ref[...]
    x2 = x2_ref[...]
    ye = (jnp.dot(x1, ce1[...], precision=HI)
          + jnp.dot(x2, ce2[...], precision=HI))
    yo = (jnp.dot(x1, co1[...], precision=HI)
          + jnp.dot(x2, co2[...], precision=HI))
    z = jnp.maximum(ye, yo) + be_ref[...]
    a = jnp.maximum(jnp.dot(z, w1[...], precision=HI) + b1r[...], 0.0)
    o = jnp.dot(a, w2[...], precision=HI) + b2r[...]
    o_ref[...] = jax.nn.sigmoid(o)


def _decoder(x1, x2, Ce1, Ce2, Co1, Co2, be, W1, b1, W2, b2):
    C4 = 4 * H
    return pl.pallas_call(
        _decoder_body,
        grid=(P // BLKD,),
        in_specs=[pl.BlockSpec((BLKD, H), lambda i: (i, 0)),
                  pl.BlockSpec((BLKD, H), lambda i: (i, 0)),
                  pl.BlockSpec((H, C4), lambda i: (0, 0)),
                  pl.BlockSpec((H, C4), lambda i: (0, 0)),
                  pl.BlockSpec((H, C4), lambda i: (0, 0)),
                  pl.BlockSpec((H, C4), lambda i: (0, 0)),
                  pl.BlockSpec((1, C4), lambda i: (0, 0)),
                  pl.BlockSpec((C4, H), lambda i: (0, 0)),
                  pl.BlockSpec((1, H), lambda i: (0, 0)),
                  pl.BlockSpec((H, 1), lambda i: (0, 0)),
                  pl.BlockSpec((1, 1), lambda i: (0, 0))],
        out_specs=pl.BlockSpec((BLKD, 1), lambda i: (i, 0)),
        out_shape=jax.ShapeDtypeStruct((P, 1), jnp.float32),
    )(x1, x2, Ce1, Ce2, Co1, Co2, be, W1,
      b1.reshape(1, H), W2, b2.reshape(1, 1))


def _conv_mats(conv_w, conv_b):
    w3 = conv_w[:, 0, :]
    i_g = jnp.arange(2 * H)[:, None]
    k_g = (jnp.arange(4 * H) % H)[None, :]
    Ce = jnp.zeros((2 * H, 4 * H), jnp.float32)
    Co = jnp.zeros((2 * H, 4 * H), jnp.float32)
    for t in range(3):
        wrow = jnp.repeat(w3[:, t], H)[None, :]
        Ce = Ce + jnp.where(i_g == 2 * k_g + t - 1, wrow, 0.0)
        Co = Co + jnp.where(i_g == 2 * k_g + t, wrow, 0.0)
    be = jnp.repeat(conv_b, H).reshape(1, 4 * H)
    return Ce, Co, be


def kernel(drug_x, drug_edge, batch, target_ddi_index,
           W_init, b_init, W_l, b_l, W_r, conv_w, conv_b, W1, b1, W2, b2):
    xp = jnp.pad(drug_x, ((0, NPAD - N), (0, 0)))
    src = jnp.pad(drug_edge[0], (0, EPAD - E))
    dst = jnp.pad(drug_edge[1], (0, EPAD - E), constant_values=NPAD)
    zrows = jnp.zeros((ROWS_TEC, H), jnp.float32)
    zpool = jnp.zeros((GP // NTEC, HE), jnp.float32)
    batch_pad = jnp.pad(batch, (0, NPAD - N), constant_values=G)
    Ce, Co, be = _conv_mats(conv_w, conv_b)

    hp = _init_transform(xp, W_init, b_init)
    aggp = _seg_sum_sc(hp, src, dst, zrows)
    h2e = _h2_ext(aggp, hp, W_l, b_l, W_r)
    pgs = _pool_sc(h2e, batch_pad, zpool)
    g = _g_combine(pgs[0], pgs[1])
    x1, x2 = _pair_gather_sc(g, target_ddi_index[0], target_ddi_index[1])
    ddi = _decoder(x1, x2, Ce[:H], Ce[H:], Co[:H], Co[H:],
                   be, W1, b1, W2, b2)
    return (g, ddi.reshape(-1))

# --- scband reference (transcript-rebuilt; emitter-appended) ---
"""Pipeline reference for scband-drug-graph-60876866454167 (READ-ONLY COPY).

The authoritative reference and input builder live on the scoring server;
editing this copy changes nothing except your own understanding.
"""

import jax, jax.numpy as jnp
import numpy as np

N = 50000   # nodes
E = 800000  # edges
G = 2048    # graphs in batch
P = 16384   # ddi pairs
IN = 75     # in_dim
H = 64      # hidden_dim


def setup_inputs(seed: int = 0) -> dict:
    key = jax.random.key(seed)
    ks = jax.random.split(key, 16)
    drug_x = jax.random.normal(ks[0], (N, IN), dtype=jnp.float32)
    drug_edge = jax.random.randint(ks[1], (2, E), 0, N, dtype=jnp.int32)
    batch = jnp.sort(jax.random.randint(ks[2], (N,), 0, G, dtype=jnp.int32))
    target_ddi_index = jax.random.randint(ks[3], (2, P), 0, G, dtype=jnp.int32)
    s = 0.05
    params = {
        'W_init': jax.random.normal(ks[4], (IN, H), dtype=jnp.float32) * s,
        'b_init': jnp.zeros((H,), jnp.float32),
        'W_l': jax.random.normal(ks[5], (H, H), dtype=jnp.float32) * s,
        'b_l': jnp.zeros((H,), jnp.float32),
        'W_r': jax.random.normal(ks[6], (H, H), dtype=jnp.float32) * s,
        'conv_w': jax.random.normal(ks[7], (4, 1, 3), dtype=jnp.float32) * s,
        'conv_b': jnp.zeros((4,), jnp.float32),
        'W1': jax.random.normal(ks[8], (4 * 2 * H // 2, H), dtype=jnp.float32) * s,  # 256 x 64
        'b1': jnp.zeros((H,), jnp.float32),
        'W2': jax.random.normal(ks[9], (H, 1), dtype=jnp.float32) * s,
        'b2': jnp.zeros((1,), jnp.float32),
    }
    return dict(drug_x=drug_x, drug_edge=drug_edge, batch=batch,
                target_ddi_index=target_ddi_index, **params)


def reference(drug_x, drug_edge, batch, target_ddi_index,
              W_init, b_init, W_l, b_l, W_r, conv_w, conv_b, W1, b1, W2, b2):
    # init_transform
    h = drug_x @ W_init + b_init
    # SAGEConv with sum aggregation: out = lin_l(sum_j x_j) + lin_r(x)
    src = drug_edge[0]
    dst = drug_edge[1]
    msg = h[src]
    agg = jax.ops.segment_sum(msg, dst, num_segments=N)
    h2 = agg @ W_l + b_l + h @ W_r
    # global_mean_pool over `batch`
    gs = jax.ops.segment_sum(h2, batch, num_segments=G)
    cnt = jax.ops.segment_sum(jnp.ones((N, 1), jnp.float32), batch, num_segments=G)
    g = gs / jnp.clip(cnt, 1.0)
    # graph_pre_decoder
    x1 = g[target_ddi_index[0]]
    x2 = g[target_ddi_index[1]]
    x = jnp.concatenate([x1, x2], axis=-1)          # [P, 128]
    x = x[:, None, :]                                # [P, 1, 128]
    x = jax.lax.conv_general_dilated(x, conv_w, window_strides=(1,),
                                     padding=((1, 1),),
                                     dimension_numbers=('NCH', 'OIH', 'NCH'))
    x = x + conv_b[None, :, None]                    # [P, 4, 128]
    x = jax.lax.reduce_window(x, -jnp.inf, jax.lax.max,
                              (1, 1, 2), (1, 1, 2), 'VALID')  # [P, 4, 64]
    x = x.reshape(x.shape[0], -1)                    # [P, 256]
    # dropout is identity in deterministic eval
    out = jax.nn.relu(x @ W1 + b1)
    out = (out @ W2 + b2).reshape(-1)
    ddi_pre = jax.nn.sigmoid(out)
    return (g, ddi_pre)

if __name__ == "__main__":
    import jax
    _d = setup_inputs()
    print(jax.jit(kernel)(*tuple(_d.values())))

</pallas_src>

<mosaic_0001>
#map = affine_map<(d0, d1) -> (0, 0)>
#map1 = affine_map<(d0, d1) -> (0)>
module attributes {stable_mosaic.version = 14 : i64} {
  func.func @k(%arg0: i32, %arg1: i32, %arg2: memref<50176x64xf32, #tpu.memory_space<hbm>>, %arg3: memref<800768xi32, #tpu.memory_space<hbm>>, %arg4: memref<800768xi32, #tpu.memory_space<hbm>>, %arg5: memref<1568x64xf32, #tpu.memory_space<hbm>>, %arg6: memref<50176x64xf32, #tpu.memory_space<hbm>>, %arg7: memref<128xi32, #tpu.memory_space<vmem>>, %arg8: memref<128xi32, #tpu.memory_space<vmem>>, %arg9: memref<288xi32, #tpu.memory_space<vmem>>, %arg10: memref<288xi32, #tpu.memory_space<vmem>>, %arg11: memref<128x64xf32, #tpu.memory_space<vmem>>, %arg12: memref<25096x64xf32, #tpu.memory_space<vmem_shared>>, %arg13: memref<!tpu.dma_semaphore, #tpu.memory_space<semaphore_mem>>) attributes {dimension_semantics = [#tpu.dimension_semantics<core_parallel>, #tpu.dimension_semantics<subcore_parallel>], iteration_bounds = array<i64: 2, 16>, scalar_prefetch = 0 : i64, scratch_operands = 7 : i64, tpu.core_type = #tpu.core_type<sc_vector_subcore>, window_params = [{transform_indices = #map}, {transform_indices = #map1}, {transform_indices = #map1}, {transform_indices = #map}, {transform_indices = #map}]} {
    %mul3A = arith.constant 25088 : i32
    %mul3A_0 = arith.muli %arg0, %mul3A : i32
    %mul3A_1 = arith.constant 1568 : i32
    %mul3A_2 = arith.muli %arg1, %mul3A_1 : i32
    "tpu.region"() ({
      %run_scoped3A = tpu.sem_alloc : memref<!tpu.dma_semaphore, #tpu.memory_space<semaphore_mem>>
      %dma_start3A_181 = arith.constant 0 : i32
      %dma_start3A_182 = tpu.memref_slice %arg12[%mul3A_2, %dma_start3A_181] : memref<25096x64xf32, #tpu.memory_space<vmem_shared>> -> memref<1568x64xf32, #tpu.memory_space<vmem_shared>>
      tpu.enqueue_dma source(%arg5 : memref<1568x64xf32, #tpu.memory_space<hbm>>) target(%dma_start3A_182 : memref<1568x64xf32, #tpu.memory_space<vmem_shared>>) target_semaphore(%run_scoped3A : memref<!tpu.dma_semaphore, #tpu.memory_space<semaphore_mem>>)
      %dma_wait3A_183 = arith.constant 0 : i32
      %dma_wait3A_184 = tpu.memref_slice %arg12[%mul3A_2, %dma_wait3A_183] : memref<25096x64xf32, #tpu.memory_space<vmem_shared>> -> memref<1568x64xf32, #tpu.memory_space<vmem_shared>>
      tpu.wait_dma2 semaphore(%run_scoped3A : memref<!tpu.dma_semaphore, #tpu.memory_space<semaphore_mem>>) src(%arg5 : memref<1568x64xf32, #tpu.memory_space<hbm>>) dst(%dma_wait3A_184 : memref<1568x64xf32, #tpu.memory_space<vmem_shared>>)
      tpu.yield
    }) : () -> ()
    %eq3A = arith.constant 0 : i32
    %eq3A_3 = arith.cmpi eq, %arg1, %eq3A : i32
    %convert_element_type3A = arith.extui %eq3A_3 : i1 to i32
    %cond3A = arith.constant 0 : i32
    %cond3A_4 = arith.cmpi ne, %convert_element_type3A, %cond3A : i32
    scf.if %cond3A_4 {
      "tpu.region"() ({
        %run_scoped3A = tpu.sem_alloc : memref<!tpu.dma_semaphore, #tpu.memory_space<semaphore_mem>>
        %dma_start3A_181 = arith.constant 25088 : i32
        %dma_start3A_182 = arith.constant 0 : i32
        %dma_start3A_183 = tpu.memref_slice %arg12[%dma_start3A_181, %dma_start3A_182] : memref<25096x64xf32, #tpu.memory_space<vmem_shared>> -> memref<8x64xf32, #tpu.memory_space<vmem_shared>>
        %dma_start3A_184 = arith.constant 0 : i32
        %dma_start3A_185 = arith.constant 0 : i32
        %dma_start3A_186 = tpu.memref_slice %arg5[%dma_start3A_184, %dma_start3A_185] : memref<1568x64xf32, #tpu.memory_space<hbm>> -> memref<8x64xf32, #tpu.memory_space<hbm>>
        tpu.enqueue_dma source(%dma_start3A_186 : memref<8x64xf32, #tpu.memory_space<hbm>>) target(%dma_start3A_183 : memref<8x64xf32, #tpu.memory_space<vmem_shared>>) target_semaphore(%run_scoped3A : memref<!tpu.dma_semaphore, #tpu.memory_space<semaphore_mem>>)
        %dma_wait3A_187 = arith.constant 25088 : i32
        %dma_wait3A_188 = arith.constant 0 : i32
        %dma_wait3A_189 = tpu.memref_slice %arg12[%dma_wait3A_187, %dma_wait3A_188] : memref<25096x64xf32, #tpu.memory_space<vmem_shared>> -> memref<8x64xf32, #tpu.memory_space<vmem_shared>>
        %dma_wait3A_190 = arith.constant 0 : i32
        %dma_wait3A_191 = arith.constant 0 : i32
        %dma_wait3A_192 = tpu.memref_slice %arg5[%dma_wait3A_190, %dma_wait3A_191] : memref<1568x64xf32, #tpu.memory_space<hbm>> -> memref<8x64xf32, #tpu.memory_space<hbm>>
        tpu.wait_dma2 semaphore(%run_scoped3A : memref<!tpu.dma_semaphore, #tpu.memory_space<semaphore_mem>>) src(%dma_wait3A_192 : memref<8x64xf32, #tpu.memory_space<hbm>>) dst(%dma_wait3A_189 : memref<8x64xf32, #tpu.memory_space<vmem_shared>>)
        tpu.yield
      }) : () -> ()
    } else {
    }
    %barrier3A = arith.constant 0 : index
    tpu.barrier barrier_id(%barrier3A)
    %scan3A = arith.constant 0 : i32
    %scan3A_5 = arith.constant 0 : i32
    %scan3A_6 = arith.constant 391 : i32
    %scan3A_7 = arith.addi %scan3A_5, %scan3A_6 : i32
    %scan3A_8 = arith.constant 1 : i32
    %scan3A_9 = scf.for %scan3A_181 = %scan3A_5 to %scan3A_7 step %scan3A_8 iter_args(%scan3A_182 = %scan3A) -> (i32)  : i32 {
      %mul3A_183 = arith.constant 50048 : i32
      %mul3A_184 = arith.muli %arg1, %mul3A_183 : i32
      %mul3A_185 = arith.constant 128 : i32
      %mul3A_186 = arith.muli %scan3A_181, %mul3A_185 : i32
      %add3A_187 = arith.addi %mul3A_184, %mul3A_186 : i32
      "tpu.region"() ({
        %run_scoped3A = tpu.sem_alloc : memref<!tpu.dma_semaphore, #tpu.memory_space<semaphore_mem>>
        %dma_start3A_435 = tpu.memref_slice %arg3[%add3A_187] : memref<800768xi32, #tpu.memory_space<hbm>> -> memref<128xi32, #tpu.memory_space<hbm>>
        %dma_start3A_436 = tpu.memref_slice %arg3[%add3A_187] : memref<800768xi32, #tpu.memory_space<hbm>> -> memref<128xi32, #tpu.memory_space<hbm>>
        tpu.enqueue_dma source(%dma_start3A_436 : memref<128xi32, #tpu.memory_space<hbm>>) target(%arg7 : memref<128xi32, #tpu.memory_space<vmem>>) target_semaphore(%run_scoped3A : memref<!tpu.dma_semaphore, #tpu.memory_space<semaphore_mem>>)
        %dma_wait3A_437 = tpu.memref_slice %arg3[%add3A_187] : memref<800768xi32, #tpu.memory_space<hbm>> -> memref<128xi32, #tpu.memory_space<hbm>>
        %dma_wait3A_438 = tpu.memref_slice %arg3[%add3A_187] : memref<800768xi32, #tpu.memory_space<hbm>> -> memref<128xi32, #tpu.memory_space<hbm>>
        tpu.wait_dma2 semaphore(%run_scoped3A : memref<!tpu.dma_semaphore, #tpu.memory_space<semaphore_mem>>) src(%dma_wait3A_438 : memref<128xi32, #tpu.memory_space<hbm>>) dst(%arg7 : memref<128xi32, #tpu.memory_space<vmem>>)
        tpu.yield
      }) : () -> ()
      "tpu.region"() ({
        %run_scoped3A = tpu.sem_alloc : memref<!tpu.dma_semaphore, #tpu.memory_space<semaphore_mem>>
        %dma_start3A_435 = tpu.memref_slice %arg4[%add3A_187] : memref<800768xi32, #tpu.memory_space<hbm>> -> memref<128xi32, #tpu.memory_space<hbm>>
        %dma_start3A_436 = tpu.memref_slice %arg4[%add3A_187] : memref<800768xi32, #tpu.memory_space<hbm>> -> memref<128xi32, #tpu.memory_space<hbm>>
        tpu.enqueue_dma source(%dma_start3A_436 : memref<128xi32, #tpu.memory_space<hbm>>) target(%arg8 : memref<128xi32, #tpu.memory_space<vmem>>) target_semaphore(%run_scoped3A : memref<!tpu.dma_semaphore, #tpu.memory_space<semaphore_mem>>)
        %dma_wait3A_437 = tpu.memref_slice %arg4[%add3A_187] : memref<800768xi32, #tpu.memory_space<hbm>> -> memref<128xi32, #tpu.memory_space<hbm>>
        %dma_wait3A_438 = tpu.memref_slice %arg4[%add3A_187] : memref<800768xi32, #tpu.memory_space<hbm>> -> memref<128xi32, #tpu.memory_space<hbm>>
        tpu.wait_dma2 semaphore(%run_scoped3A : memref<!tpu.dma_semaphore, #tpu.memory_space<semaphore_mem>>) src(%dma_wait3A_438 : memref<128xi32, #tpu.memory_space<hbm>>) dst(%arg8 : memref<128xi32, #tpu.memory_space<vmem>>)
        tpu.yield
      }) : () -> ()
      %iota3A = tpu.iota {dimensions = array<i32: 0>} : vector<16xi32>
      %get3A_188 = arith.constant 0 : index
      %get3A_189 = tpu.vector_load %arg8[%get3A_188] {strides = array<i32>} : memref<128xi32, #tpu.memory_space<vmem>>, vector<16xi32>,
      %ge3A = vector.broadcast %mul3A_0 : i32 to vector<16xi32>
      %ge3A_190 = arith.cmpi sge, %get3A_189, %ge3A : vector<16xi32>
      %add3A_191 = arith.constant 25088 : i32
      %add3A_192 = arith.addi %mul3A_0, %add3A_191 : i32
      %lt3A = vector.broadcast %add3A_192 : i32 to vector<16xi32>
      %lt3A_193 = arith.cmpi slt, %get3A_189, %lt3A : vector<16xi32>
      %and3A = arith.andi %ge3A_190, %lt3A_193 : vector<16xi1>
      %convert_element_type3A_194 = arith.extui %and3A : vector<16xi1> to vector<16xi32>
      %broadcast_in_dim3A_195 = arith.constant true
      %broadcast_in_dim3A_196 = vector.broadcast %broadcast_in_dim3A_195 : i1 to vector<16xi1>
      %masked_cumsum3A = tpu.scan <sum>, %convert_element_type3A_194 masked %broadcast_in_dim3A_196 : vector<16xi32>, vector<16xi1> -> vector<16xi32>
      %add3A_197 = vector.broadcast %scan3A_182 : i32 to vector<16xi32>
      %add3A_198 = arith.addi %add3A_197, %masked_cumsum3A : vector<16xi32>
      %sub3A = arith.constant 1 : i32
      %sub3A_199 = vector.broadcast %sub3A : i32 to vector<16xi32>
      %sub3A_200 = arith.subi %add3A_198, %sub3A_199 : vector<16xi32>
      %add3A_201 = arith.constant 256 : i32
      %add3A_202 = vector.broadcast %add3A_201 : i32 to vector<16xi32>
      %add3A_203 = arith.addi %add3A_202, %iota3A : vector<16xi32>
      %select_n3A = arith.select %and3A, %sub3A_200, %add3A_203 : vector<16xi1>, vector<16xi32>
      %get3A_204 = arith.constant 0 : index
      %get3A_205 = tpu.vector_load %arg7[%get3A_204] {strides = array<i32>} : memref<128xi32, #tpu.memory_space<vmem>>, vector<16xi32>,
      tpu.vector_store_idx %arg9[%select_n3A], %get3A_205 : memref<288xi32, #tpu.memory_space<vmem>>[vector<16xi32>], vector<16xi32>,
      %sub3A_206 = vector.broadcast %mul3A_0 : i32 to vector<16xi32>
      %sub3A_207 = arith.subi %get3A_189, %sub3A_206 : vector<16xi32>
      tpu.vector_store_idx %arg10[%select_n3A], %sub3A_207 : memref<288xi32, #tpu.memory_space<vmem>>[vector<16xi32>], vector<16xi32>,
      %reduce_sum3A = arith.constant true
      %reduce_sum3A_208 = vector.broadcast %reduce_sum3A : i1 to vector<16xi1>
      %reduce_sum3A_209 = tpu.scan <sum>, %convert_element_type3A_194 masked %reduce_sum3A_208 : vector<16xi32>, vector<16xi1> -> vector<16xi32>
      %reduce_sum3A_210 = vector.extract %reduce_sum3A_209[15] : i32 from vector<16xi32>
      %add3A_211 = arith.addi %scan3A_182, %reduce_sum3A_210 : i32
      %get3A_212 = arith.constant 16 : index
      %get3A_213 = tpu.vector_load %arg8[%get3A_212] {strides = array<i32>} : memref<128xi32, #tpu.memory_space<vmem>>, vector<16xi32>,
      %ge3A_214 = vector.broadcast %mul3A_0 : i32 to vector<16xi32>
      %ge3A_215 = arith.cmpi sge, %get3A_213, %ge3A_214 : vector<16xi32>
      %add3A_216 = arith.constant 25088 : i32
      %add3A_217 = arith.addi %mul3A_0, %add3A_216 : i32
      %lt3A_218 = vector.broadcast %add3A_217 : i32 to vector<16xi32>
      %lt3A_219 = arith.cmpi slt, %get3A_213, %lt3A_218 : vector<16xi32>
      %and3A_220 = arith.andi %ge3A_215, %lt3A_219 : vector<16xi1>
      %convert_element_type3A_221 = arith.extui %and3A_220 : vector<16xi1> to vector<16xi32>
      %broadcast_in_dim3A_222 = arith.constant true
      %broadcast_in_dim3A_223 = vector.broadcast %broadcast_in_dim3A_222 : i1 to vector<16xi1>
      %masked_cumsum3A_224 = tpu.scan <sum>, %convert_element_type3A_221 masked %broadcast_in_dim3A_223 : vector<16xi32>, vector<16xi1> -> vector<16xi32>
      %add3A_225 = vector.broadcast %add3A_211 : i32 to vector<16xi32>
      %add3A_226 = arith.addi %add3A_225, %masked_cumsum3A_224 : vector<16xi32>
      %sub3A_227 = arith.constant 1 : i32
      %sub3A_228 = vector.broadcast %sub3A_227 : i32 to vector<16xi32>
      %sub3A_229 = arith.subi %add3A_226, %sub3A_228 : vector<16xi32>
      %add3A_230 = arith.constant 256 : i32
      %add3A_231 = vector.broadcast %add3A_230 : i32 to vector<16xi32>
      %add3A_232 = arith.addi %add3A_231, %iota3A : vector<16xi32>
      %select_n3A_233 = arith.select %and3A_220, %sub3A_229, %add3A_232 : vector<16xi1>, vector<16xi32>
      %get3A_234 = arith.constant 16 : index
      %get3A_235 = tpu.vector_load %arg7[%get3A_234] {strides = array<i32>} : memref<128xi32, #tpu.memory_space<vmem>>, vector<16xi32>,
      tpu.vector_store_idx %arg9[%select_n3A_233], %get3A_235 : memref<288xi32, #tpu.memory_space<vmem>>[vector<16xi32>], vector<16xi32>,
      %sub3A_236 = vector.broadcast %mul3A_0 : i32 to vector<16xi32>
      %sub3A_237 = arith.subi %get3A_213, %sub3A_236 : vector<16xi32>
      tpu.vector_store_idx %arg10[%select_n3A_233], %sub3A_237 : memref<288xi32, #tpu.memory_space<vmem>>[vector<16xi32>], vector<16xi32>,
      %reduce_sum3A_238 = arith.constant true
      %reduce_sum3A_239 = vector.broadcast %reduce_sum3A_238 : i1 to vector<16xi1>
      %reduce_sum3A_240 = tpu.scan <sum>, %convert_element_type3A_221 masked %reduce_sum3A_239 : vector<16xi32>, vector<16xi1> -> vector<16xi32>
      %reduce_sum3A_241 = vector.extract %reduce_sum3A_240[15] : i32 from vector<16xi32>
      %add3A_242 = arith.addi %add3A_211, %reduce_sum3A_241 : i32
      %get3A_243 = arith.constant 32 : index
      %get3A_244 = tpu.vector_load %arg8[%get3A_243] {strides = array<i32>} : memref<128xi32, #tpu.memory_space<vmem>>, vector<16xi32>,
      %ge3A_245 = vector.broadcast %mul3A_0 : i32 to vector<16xi32>
      %ge3A_246 = arith.cmpi sge, %get3A_244, %ge3A_245 : vector<16xi32>
      %add3A_247 = arith.constant 25088 : i32
      %add3A_248 = arith.addi %mul3A_0, %add3A_247 : i32
      %lt3A_249 = vector.broadcast %add3A_248 : i32 to vector<16xi32>
      %lt3A_250 = arith.cmpi slt, %get3A_244, %lt3A_249 : vector<16xi32>
      %and3A_251 = arith.andi %ge3A_246, %lt3A_250 : vector<16xi1>
      %convert_element_type3A_252 = arith.extui %and3A_251 : vector<16xi1> to vector<16xi32>
      %broadcast_in_dim3A_253 = arith.constant true
      %broadcast_in_dim3A_254 = vector.broadcast %broadcast_in_dim3A_253 : i1 to vector<16xi1>
      %masked_cumsum3A_255 = tpu.scan <sum>, %convert_element_type3A_252 masked %broadcast_in_dim3A_254 : vector<16xi32>, vector<16xi1> -> vector<16xi32>
      %add3A_256 = vector.broadcast %add3A_242 : i32 to vector<16xi32>
      %add3A_257 = arith.addi %add3A_256, %masked_cumsum3A_255 : vector<16xi32>
      %sub3A_258 = arith.constant 1 : i32
      %sub3A_259 = vector.broadcast %sub3A_258 : i32 to vector<16xi32>
      %sub3A_260 = arith.subi %add3A_257, %sub3A_259 : vector<16xi32>
      %add3A_261 = arith.constant 256 : i32
      %add3A_262 = vector.broadcast %add3A_261 : i32 to vector<16xi32>
      %add3A_263 = arith.addi %add3A_262, %iota3A : vector<16xi32>
      %select_n3A_264 = arith.select %and3A_251, %sub3A_260, %add3A_263 : vector<16xi1>, vector<16xi32>
      %get3A_265 = arith.constant 32 : index
      %get3A_266 = tpu.vector_load %arg7[%get3A_265] {strides = array<i32>} : memref<128xi32, #tpu.memory_space<vmem>>, vector<16xi32>,
      tpu.vector_store_idx %arg9[%select_n3A_264], %get3A_266 : memref<288xi32, #tpu.memory_space<vmem>>[vector<16xi32>], vector<16xi32>,
      %sub3A_267 = vector.broadcast %mul3A_0 : i32 to vector<16xi32>
      %sub3A_268 = arith.subi %get3A_244, %sub3A_267 : vector<16xi32>
      tpu.vector_store_idx %arg10[%select_n3A_264], %sub3A_268 : memref<288xi32, #tpu.memory_space<vmem>>[vector<16xi32>], vector<16xi32>,
      %reduce_sum3A_269 = arith.constant true
      %reduce_sum3A_270 = vector.broadcast %reduce_sum3A_269 : i1 to vector<16xi1>
      %reduce_sum3A_271 = tpu.scan <sum>, %convert_element_type3A_252 masked %reduce_sum3A_270 : vector<16xi32>, vector<16xi1> -> vector<16xi32>
      %reduce_sum3A_272 = vector.extract %reduce_sum3A_271[15] : i32 from vector<16xi32>
      %add3A_273 = arith.addi %add3A_242, %reduce_sum3A_272 : i32
      %get3A_274 = arith.constant 48 : index
      %get3A_275 = tpu.vector_load %arg8[%get3A_274] {strides = array<i32>} : memref<128xi32, #tpu.memory_space<vmem>>, vector<16xi32>,
      %ge3A_276 = vector.broadcast %mul3A_0 : i32 to vector<16xi32>
      %ge3A_277 = arith.cmpi sge, %get3A_275, %ge3A_276 : vector<16xi32>
      %add3A_278 = arith.constant 25088 : i32
      %add3A_279 = arith.addi %mul3A_0, %add3A_278 : i32
      %lt3A_280 = vector.broadcast %add3A_279 : i32 to vector<16xi32>
      %lt3A_281 = arith.cmpi slt, %get3A_275, %lt3A_280 : vector<16xi32>
      %and3A_282 = arith.andi %ge3A_277, %lt3A_281 : vector<16xi1>
      %convert_element_type3A_283 = arith.extui %and3A_282 : vector<16xi1> to vector<16xi32>
      %broadcast_in_dim3A_284 = arith.constant true
      %broadcast_in_dim3A_285 = vector.broadcast %broadcast_in_dim3A_284 : i1 to vector<16xi1>
      %masked_cumsum3A_286 = tpu.scan <sum>, %convert_element_type3A_283 masked %broadcast_in_dim3A_285 : vector<16xi32>, vector<16xi1> -> vector<16xi32>
      %add3A_287 = vector.broadcast %add3A_273 : i32 to vector<16xi32>
      %add3A_288 = arith.addi %add3A_287, %masked_cumsum3A_286 : vector<16xi32>
      %sub3A_289 = arith.constant 1 : i32
      %sub3A_290 = vector.broadcast %sub3A_289 : i32 to vector<16xi32>
      %sub3A_291 = arith.subi %add3A_288, %sub3A_290 : vector<16xi32>
      %add3A_292 = arith.constant 256 : i32
      %add3A_293 = vector.broadcast %add3A_292 : i32 to vector<16xi32>
      %add3A_294 = arith.addi %add3A_293, %iota3A : vector<16xi32>
      %select_n3A_295 = arith.select %and3A_282, %sub3A_291, %add3A_294 : vector<16xi1>, vector<16xi32>
      %get3A_296 = arith.constant 48 : index
      %get3A_297 = tpu.vector_load %arg7[%get3A_296] {strides = array<i32>} : memref<128xi32, #tpu.memory_space<vmem>>, vector<16xi32>,
      tpu.vector_store_idx %arg9[%select_n3A_295], %get3A_297 : memref<288xi32, #tpu.memory_space<vmem>>[vector<16xi32>], vector<16xi32>,
      %sub3A_298 = vector.broadcast %mul3A_0 : i32 to vector<16xi32>
      %sub3A_299 = arith.subi %get3A_275, %sub3A_298 : vector<16xi32>
      tpu.vector_store_idx %arg10[%select_n3A_295], %sub3A_299 : memref<288xi32, #tpu.memory_space<vmem>>[vector<16xi32>], vector<16xi32>,
      %reduce_sum3A_300 = arith.constant true
      %reduce_sum3A_301 = vector.broadcast %reduce_sum3A_300 : i1 to vector<16xi1>
      %reduce_sum3A_302 = tpu.scan <sum>, %convert_element_type3A_283 masked %reduce_sum3A_301 : vector<16xi32>, vector<16xi1> -> vector<16xi32>
      %reduce_sum3A_303 = vector.extract %reduce_sum3A_302[15] : i32 from vector<16xi32>
      %add3A_304 = arith.addi %add3A_273, %reduce_sum3A_303 : i32
      %get3A_305 = arith.constant 64 : index
      %get3A_306 = tpu.vector_load %arg8[%get3A_305] {strides = array<i32>} : memref<128xi32, #tpu.memory_space<vmem>>, vector<16xi32>,
      %ge3A_307 = vector.broadcast %mul3A_0 : i32 to vector<16xi32>
      %ge3A_308 = arith.cmpi sge, %get3A_306, %ge3A_307 : vector<16xi32>
      %add3A_309 = arith.constant 25088 : i32
      %add3A_310 = arith.addi %mul3A_0, %add3A_309 : i32
      %lt3A_311 = vector.broadcast %add3A_310 : i32 to vector<16xi32>
      %lt3A_312 = arith.cmpi slt, %get3A_306, %lt3A_311 : vector<16xi32>
      %and3A_313 = arith.andi %ge3A_308, %lt3A_312 : vector<16xi1>
      %convert_element_type3A_314 = arith.extui %and3A_313 : vector<16xi1> to vector<16xi32>
      %broadcast_in_dim3A_315 = arith.constant true
      %broadcast_in_dim3A_316 = vector.broadcast %broadcast_in_dim3A_315 : i1 to vector<16xi1>
      %masked_cumsum3A_317 = tpu.scan <sum>, %convert_element_type3A_314 masked %broadcast_in_dim3A_316 : vector<16xi32>, vector<16xi1> -> vector<16xi32>
      %add3A_318 = vector.broadcast %add3A_304 : i32 to vector<16xi32>
      %add3A_319 = arith.addi %add3A_318, %masked_cumsum3A_317 : vector<16xi32>
      %sub3A_320 = arith.constant 1 : i32
      %sub3A_321 = vector.broadcast %sub3A_320 : i32 to vector<16xi32>
      %sub3A_322 = arith.subi %add3A_319, %sub3A_321 : vector<16xi32>
      %add3A_323 = arith.constant 256 : i32
      %add3A_324 = vector.broadcast %add3A_323 : i32 to vector<16xi32>
      %add3A_325 = arith.addi %add3A_324, %iota3A : vector<16xi32>
      %select_n3A_326 = arith.select %and3A_313, %sub3A_322, %add3A_325 : vector<16xi1>, vector<16xi32>
      %get3A_327 = arith.constant 64 : index
      %get3A_328 = tpu.vector_load %arg7[%get3A_327] {strides = array<i32>} : memref<128xi32, #tpu.memory_space<vmem>>, vector<16xi32>,
      tpu.vector_store_idx %arg9[%select_n3A_326], %get3A_328 : memref<288xi32, #tpu.memory_space<vmem>>[vector<16xi32>], vector<16xi32>,
      %sub3A_329 = vector.broadcast %mul3A_0 : i32 to vector<16xi32>
      %sub3A_330 = arith.subi %get3A_306, %sub3A_329 : vector<16xi32>
      tpu.vector_store_idx %arg10[%select_n3A_326], %sub3A_330 : memref<288xi32, #tpu.memory_space<vmem>>[vector<16xi32>], vector<16xi32>,
      %reduce_sum3A_331 = arith.constant true
      %reduce_sum3A_332 = vector.broadcast %reduce_sum3A_331 : i1 to vector<16xi1>
      %reduce_sum3A_333 = tpu.scan <sum>, %convert_element_type3A_314 masked %reduce_sum3A_332 : vector<16xi32>, vector<16xi1> -> vector<16xi32>
      %reduce_sum3A_334 = vector.extract %reduce_sum3A_333[15] : i32 from vector<16xi32>
      %add3A_335 = arith.addi %add3A_304, %reduce_sum3A_334 : i32
      %get3A_336 = arith.constant 80 : index
      %get3A_337 = tpu.vector_load %arg8[%get3A_336] {strides = array<i32>} : memref<128xi32, #tpu.memory_space<vmem>>, vector<16xi32>,
      %ge3A_338 = vector.broadcast %mul3A_0 : i32 to vector<16xi32>
      %ge3A_339 = arith.cmpi sge, %get3A_337, %ge3A_338 : vector<16xi32>
      %add3A_340 = arith.constant 25088 : i32
      %add3A_341 = arith.addi %mul3A_0, %add3A_340 : i32
      %lt3A_342 = vector.broadcast %add3A_341 : i32 to vector<16xi32>
      %lt3A_343 = arith.cmpi slt, %get3A_337, %lt3A_342 : vector<16xi32>
      %and3A_344 = arith.andi %ge3A_339, %lt3A_343 : vector<16xi1>
      %convert_element_type3A_345 = arith.extui %and3A_344 : vector<16xi1> to vector<16xi32>
      %broadcast_in_dim3A_346 = arith.constant true
      %broadcast_in_dim3A_347 = vector.broadcast %broadcast_in_dim3A_346 : i1 to vector<16xi1>
      %masked_cumsum3A_348 = tpu.scan <sum>, %convert_element_type3A_345 masked %broadcast_in_dim3A_347 : vector<16xi32>, vector<16xi1> -> vector<16xi32>
      %add3A_349 = vector.broadcast %add3A_335 : i32 to vector<16xi32>
      %add3A_350 = arith.addi %add3A_349, %masked_cumsum3A_348 : vector<16xi32>
      %sub3A_351 = arith.constant 1 : i32
      %sub3A_352 = vector.broadcast %sub3A_351 : i32 to vector<16xi32>
      %sub3A_353 = arith.subi %add3A_350, %sub3A_352 : vector<16xi32>
      %add3A_354 = arith.constant 256 : i32
      %add3A_355 = vector.broadcast %add3A_354 : i32 to vector<16xi32>
      %add3A_356 = arith.addi %add3A_355, %iota3A : vector<16xi32>
      %select_n3A_357 = arith.select %and3A_344, %sub3A_353, %add3A_356 : vector<16xi1>, vector<16xi32>
      %get3A_358 = arith.constant 80 : index
      %get3A_359 = tpu.vector_load %arg7[%get3A_358] {strides = array<i32>} : memref<128xi32, #tpu.memory_space<vmem>>, vector<16xi32>,
      tpu.vector_store_idx %arg9[%select_n3A_357], %get3A_359 : memref<288xi32, #tpu.memory_space<vmem>>[vector<16xi32>], vector<16xi32>,
      %sub3A_360 = vector.broadcast %mul3A_0 : i32 to vector<16xi32>
      %sub3A_361 = arith.subi %get3A_337, %sub3A_360 : vector<16xi32>
      tpu.vector_store_idx %arg10[%select_n3A_357], %sub3A_361 : memref<288xi32, #tpu.memory_space<vmem>>[vector<16xi32>], vector<16xi32>,
      %reduce_sum3A_362 = arith.constant true
      %reduce_sum3A_363 = vector.broadcast %reduce_sum3A_362 : i1 to vector<16xi1>
      %reduce_sum3A_364 = tpu.scan <sum>, %convert_element_type3A_345 masked %reduce_sum3A_363 : vector<16xi32>, vector<16xi1> -> vector<16xi32>
      %reduce_sum3A_365 = vector.extract %reduce_sum3A_364[15] : i32 from vector<16xi32>
      %add3A_366 = arith.addi %add3A_335, %reduce_sum3A_365 : i32
      %get3A_367 = arith.constant 96 : index
      %get3A_368 = tpu.vector_load %arg8[%get3A_367] {strides = array<i32>} : memref<128xi32, #tpu.memory_space<vmem>>, vector<16xi32>,
      %ge3A_369 = vector.broadcast %mul3A_0 : i32 to vector<16xi32>
      %ge3A_370 = arith.cmpi sge, %get3A_368, %ge3A_369 : vector<16xi32>
      %add3A_371 = arith.constant 25088 : i32
      %add3A_372 = arith.addi %mul3A_0, %add3A_371 : i32
      %lt3A_373 = vector.broadcast %add3A_372 : i32 to vector<16xi32>
      %lt3A_374 = arith.cmpi slt, %get3A_368, %lt3A_373 : vector<16xi32>
      %and3A_375 = arith.andi %ge3A_370, %lt3A_374 : vector<16xi1>
      %convert_element_type3A_376 = arith.extui %and3A_375 : vector<16xi1> to vector<16xi32>
      %broadcast_in_dim3A_377 = arith.constant true
      %broadcast_in_dim3A_378 = vector.broadcast %broadcast_in_dim3A_377 : i1 to vector<16xi1>
      %masked_cumsum3A_379 = tpu.scan <sum>, %convert_element_type3A_376 masked %broadcast_in_dim3A_378 : vector<16xi32>, vector<16xi1> -> vector<16xi32>
      %add3A_380 = vector.broadcast %add3A_366 : i32 to vector<16xi32>
      %add3A_381 = arith.addi %add3A_380, %masked_cumsum3A_379 : vector<16xi32>
      %sub3A_382 = arith.constant 1 : i32
      %sub3A_383 = vector.broadcast %sub3A_382 : i32 to vector<16xi32>
      %sub3A_384 = arith.subi %add3A_381, %sub3A_383 : vector<16xi32>
      %add3A_385 = arith.constant 256 : i32
      %add3A_386 = vector.broadcast %add3A_385 : i32 to vector<16xi32>
      %add3A_387 = arith.addi %add3A_386, %iota3A : vector<16xi32>
      %select_n3A_388 = arith.select %and3A_375, %sub3A_384, %add3A_387 : vector<16xi1>, vector<16xi32>
      %get3A_389 = arith.constant 96 : index
      %get3A_390 = tpu.vector_load %arg7[%get3A_389] {strides = array<i32>} : memref<128xi32, #tpu.memory_space<vmem>>, vector<16xi32>,
      tpu.vector_store_idx %arg9[%select_n3A_388], %get3A_390 : memref<288xi32, #tpu.memory_space<vmem>>[vector<16xi32>], vector<16xi32>,
      %sub3A_391 = vector.broadcast %mul3A_0 : i32 to vector<16xi32>
      %sub3A_392 = arith.subi %get3A_368, %sub3A_391 : vector<16xi32>
      tpu.vector_store_idx %arg10[%select_n3A_388], %sub3A_392 : memref<288xi32, #tpu.memory_space<vmem>>[vector<16xi32>], vector<16xi32>,
      %reduce_sum3A_393 = arith.constant true
      %reduce_sum3A_394 = vector.broadcast %reduce_sum3A_393 : i1 to vector<16xi1>
      %reduce_sum3A_395 = tpu.scan <sum>, %convert_element_type3A_376 masked %reduce_sum3A_394 : vector<16xi32>, vector<16xi1> -> vector<16xi32>
      %reduce_sum3A_396 = vector.extract %reduce_sum3A_395[15] : i32 from vector<16xi32>
      %add3A_397 = arith.addi %add3A_366, %reduce_sum3A_396 : i32
      %get3A_398 = arith.constant 112 : index
      %get3A_399 = tpu.vector_load %arg8[%get3A_398] {strides = array<i32>} : memref<128xi32, #tpu.memory_space<vmem>>, vector<16xi32>,
      %ge3A_400 = vector.broadcast %mul3A_0 : i32 to vector<16xi32>
      %ge3A_401 = arith.cmpi sge, %get3A_399, %ge3A_400 : vector<16xi32>
      %add3A_402 = arith.constant 25088 : i32
      %add3A_403 = arith.addi %mul3A_0, %add3A_402 : i32
      %lt3A_404 = vector.broadcast %add3A_403 : i32 to vector<16xi32>
      %lt3A_405 = arith.cmpi slt, %get3A_399, %lt3A_404 : vector<16xi32>
      %and3A_406 = arith.andi %ge3A_401, %lt3A_405 : vector<16xi1>
      %convert_element_type3A_407 = arith.extui %and3A_406 : vector<16xi1> to vector<16xi32>
      %broadcast_in_dim3A_408 = arith.constant true
      %broadcast_in_dim3A_409 = vector.broadcast %broadcast_in_dim3A_408 : i1 to vector<16xi1>
      %masked_cumsum3A_410 = tpu.scan <sum>, %convert_element_type3A_407 masked %broadcast_in_dim3A_409 : vector<16xi32>, vector<16xi1> -> vector<16xi32>
      %add3A_411 = vector.broadcast %add3A_397 : i32 to vector<16xi32>
      %add3A_412 = arith.addi %add3A_411, %masked_cumsum3A_410 : vector<16xi32>
      %sub3A_413 = arith.constant 1 : i32
      %sub3A_414 = vector.broadcast %sub3A_413 : i32 to vector<16xi32>
      %sub3A_415 = arith.subi %add3A_412, %sub3A_414 : vector<16xi32>
      %add3A_416 = arith.constant 256 : i32
      %add3A_417 = vector.broadcast %add3A_416 : i32 to vector<16xi32>
      %add3A_418 = arith.addi %add3A_417, %iota3A : vector<16xi32>
      %select_n3A_419 = arith.select %and3A_406, %sub3A_415, %add3A_418 : vector<16xi1>, vector<16xi32>
      %get3A_420 = arith.constant 112 : index
      %get3A_421 = tpu.vector_load %arg7[%get3A_420] {strides = array<i32>} : memref<128xi32, #tpu.memory_space<vmem>>, vector<16xi32>,
      tpu.vector_store_idx %arg9[%select_n3A_419], %get3A_421 : memref<288xi32, #tpu.memory_space<vmem>>[vector<16xi32>], vector<16xi32>,
      %sub3A_422 = vector.broadcast %mul3A_0 : i32 to vector<16xi32>
      %sub3A_423 = arith.subi %get3A_399, %sub3A_422 : vector<16xi32>
      tpu.vector_store_idx %arg10[%select_n3A_419], %sub3A_423 : memref<288xi32, #tpu.memory_space<vmem>>[vector<16xi32>], vector<16xi32>,
      %reduce_sum3A_424 = arith.constant true
      %reduce_sum3A_425 = vector.broadcast %reduce_sum3A_424 : i1 to vector<16xi1>
      %reduce_sum3A_426 = tpu.scan <sum>, %convert_element_type3A_407 masked %reduce_sum3A_425 : vector<16xi32>, vector<16xi1> -> vector<16xi32>
      %reduce_sum3A_427 = vector.extract %reduce_sum3A_426[15] : i32 from vector<16xi32>
      %add3A_428 = arith.addi %add3A_397, %reduce_sum3A_427 : i32
      %ge3A_429 = arith.constant 128 : i32
      %ge3A_430 = arith.cmpi sge, %add3A_428, %ge3A_429 : i32
      %convert_element_type3A_431 = arith.extui %ge3A_430 : i1 to i32
      %cond3A_432 = arith.constant 0 : i32
      %cond3A_433 = arith.cmpi ne, %convert_element_type3A_431, %cond3A_432 : i32
      %cond3A_434 = scf.if %cond3A_433 -> (i32) {
        %dma_start3A_435 = arith.constant 0 : i32
        %dma_start3A_436 = tpu.memref_slice %arg9[%dma_start3A_435] : memref<288xi32, #tpu.memory_space<vmem>> -> memref<128xi32, #tpu.memory_space<vmem>>
        %dma_start3A_437 = arith.constant 0 : i32
        %dma_start3A_438 = arith.constant 0 : i32
        %dma_start3A_439 = tpu.memref_slice %arg2[%dma_start3A_437, %dma_start3A_438] : memref<50176x64xf32, #tpu.memory_space<hbm>> -> memref<50176x64xf32, #tpu.memory_space<hbm>>
        tpu.enqueue_indirect_dma source(%dma_start3A_439 : memref<50176x64xf32, #tpu.memory_space<hbm>>) target(%arg11 : memref<128x64xf32, #tpu.memory_space<vmem>>) offsets(%dma_start3A_436 : memref<128xi32, #tpu.memory_space<vmem>>) semaphore(%arg13 : memref<!tpu.dma_semaphore, #tpu.memory_space<semaphore_mem>>)
        %dma_wait3A_440 = arith.constant 0 : i32
        %dma_wait3A_441 = tpu.memref_slice %arg9[%dma_wait3A_440] : memref<288xi32, #tpu.memory_space<vmem>> -> memref<128xi32, #tpu.memory_space<vmem>>
        %dma_wait3A_442 = arith.constant 0 : i32
        %dma_wait3A_443 = arith.constant 0 : i32
        %dma_wait3A_444 = tpu.memref_slice %arg2[%dma_wait3A_442, %dma_wait3A_443] : memref<50176x64xf32, #tpu.memory_space<hbm>> -> memref<50176x64xf32, #tpu.memory_space<hbm>>
        tpu.wait_indirect_dma semaphore(%arg13 : memref<!tpu.dma_semaphore, #tpu.memory_space<semaphore_mem>>) src(%dma_wait3A_444 : memref<50176x64xf32, #tpu.memory_space<hbm>>) dst(%arg11 : memref<128x64xf32, #tpu.memory_space<vmem>>)
        "tpu.region"() ({
          %run_scoped3A = tpu.sem_alloc : memref<!tpu.dma_semaphore, #tpu.memory_space<semaphore_mem>>
          %dma_start3A_511 = arith.constant 0 : i32
          %dma_start3A_512 = tpu.memref_slice %arg10[%dma_start3A_511] : memref<288xi32, #tpu.memory_space<vmem>> -> memref<128xi32, #tpu.memory_space<vmem>>
          %dma_start3A_513 = arith.constant 0 : i32
          %dma_start3A_514 = arith.constant 0 : i32
          %dma_start3A_515 = tpu.memref_slice %arg12[%dma_start3A_513, %dma_start3A_514] : memref<25096x64xf32, #tpu.memory_space<vmem_shared>> -> memref<25096x64xf32, #tpu.memory_space<vmem_shared>>
          tpu.enqueue_indirect_dma source(%arg11 : memref<128x64xf32, #tpu.memory_space<vmem>>) target(%dma_start3A_515 : memref<25096x64xf32, #tpu.memory_space<vmem_shared>>) offsets(%dma_start3A_512 : memref<128xi32, #tpu.memory_space<vmem>>) semaphore(%run_scoped3A : memref<!tpu.dma_semaphore, #tpu.memory_space<semaphore_mem>>) {add = true}
          %dma_wait3A_516 = arith.constant 0 : i32
          %dma_wait3A_517 = tpu.memref_slice %arg10[%dma_wait3A_516] : memref<288xi32, #tpu.memory_space<vmem>> -> memref<128xi32, #tpu.memory_space<vmem>>
          %dma_wait3A_518 = arith.constant 0 : i32
          %dma_wait3A_519 = arith.constant 0 : i32
          %dma_wait3A_520 = tpu.memref_slice %arg12[%dma_wait3A_518, %dma_wait3A_519] : memref<25096x64xf32, #tpu.memory_space<vmem_shared>> -> memref<25096x64xf32, #tpu.memory_space<vmem_shared>>
          tpu.wait_indirect_dma semaphore(%run_scoped3A : memref<!tpu.dma_semaphore, #tpu.memory_space<semaphore_mem>>) src(%arg11 : memref<128x64xf32, #tpu.memory_space<vmem>>) dst(%dma_wait3A_520 : memref<25096x64xf32, #tpu.memory_space<vmem_shared>>)
          tpu.yield
        }) : () -> ()
        %get3A_445 = arith.constant 128 : index
        %get3A_446 = tpu.vector_load %arg9[%get3A_445] {strides = array<i32>} : memref<288xi32, #tpu.memory_space<vmem>>, vector<16xi32>,
        %swap3A_447 = arith.constant 0 : index
        %swap3A_448 = tpu.vector_load %arg9[%swap3A_447] {strides = array<i32>} : memref<288xi32, #tpu.memory_space<vmem>>, vector<16xi32>,
        tpu.vector_store %arg9[%swap3A_447], %get3A_446 {strides = array<i32>} : memref<288xi32, #tpu.memory_space<vmem>>, vector<16xi32>,
        %get3A_449 = arith.constant 128 : index
        %get3A_450 = tpu.vector_load %arg10[%get3A_449] {strides = array<i32>} : memref<288xi32, #tpu.memory_space<vmem>>, vector<16xi32>,
        %swap3A_451 = arith.constant 0 : index
        %swap3A_452 = tpu.vector_load %arg10[%swap3A_451] {strides = array<i32>} : memref<288xi32, #tpu.memory_space<vmem>>, vector<16xi32>,
        tpu.vector_store %arg10[%swap3A_451], %get3A_450 {strides = array<i32>} : memref<288xi32, #tpu.memory_space<vmem>>, vector<16xi32>,
        %get3A_453 = arith.constant 144 : index
        %get3A_454 = tpu.vector_load %arg9[%get3A_453] {strides = array<i32>} : memref<288xi32, #tpu.memory_space<vmem>>, vector<16xi32>,
        %swap3A_455 = arith.constant 16 : index
        %swap3A_456 = tpu.vector_load %arg9[%swap3A_455] {strides = array<i32>} : memref<288xi32, #tpu.memory_space<vmem>>, vector<16xi32>,
        tpu.vector_store %arg9[%swap3A_455], %get3A_454 {strides = array<i32>} : memref<288xi32, #tpu.memory_space<vmem>>, vector<16xi32>,
        %get3A_457 = arith.constant 144 : index
        %get3A_458 = tpu.vector_load %arg10[%get3A_457] {strides = array<i32>} : memref<288xi32, #tpu.memory_space<vmem>>, vector<16xi32>,
        %swap3A_459 = arith.constant 16 : index
        %swap3A_460 = tpu.vector_load %arg10[%swap3A_459] {strides = array<i32>} : memref<288xi32, #tpu.memory_space<vmem>>, vector<16xi32>,
        tpu.vector_store %arg10[%swap3A_459], %get3A_458 {strides = array<i32>} : memref<288xi32, #tpu.memory_space<vmem>>, vector<16xi32>,
        %get3A_461 = arith.constant 160 : index
        %get3A_462 = tpu.vector_load %arg9[%get3A_461] {strides = array<i32>} : memref<288xi32, #tpu.memory_space<vmem>>, vector<16xi32>,
        %swap3A_463 = arith.constant 32 : index
        %swap3A_464 = tpu.vector_load %arg9[%swap3A_463] {strides = array<i32>} : memref<288xi32, #tpu.memory_space<vmem>>, vector<16xi32>,
        tpu.vector_store %arg9[%swap3A_463], %get3A_462 {strides = array<i32>} : memref<288xi32, #tpu.memory_space<vmem>>, vector<16xi32>,
        %get3A_465 = arith.constant 160 : index
        %get3A_466 = tpu.vector_load %arg10[%get3A_465] {strides = array<i32>} : memref<288xi32, #tpu.memory_space<vmem>>, vector<16xi32>,
        %swap3A_467 = arith.constant 32 : index
        %swap3A_468 = tpu.vector_load %arg10[%swap3A_467] {strides = array<i32>} : memref<288xi32, #tpu.memory_space<vmem>>, vector<16xi32>,
        tpu.vector_store %arg10[%swap3A_467], %get3A_466 {strides = array<i32>} : memref<288xi32, #tpu.memory_space<vmem>>, vector<16xi32>,
        %get3A_469 = arith.constant 176 : index
        %get3A_470 = tpu.vector_load %arg9[%get3A_469] {strides = array<i32>} : memref<288xi32, #tpu.memory_space<vmem>>, vector<16xi32>,
        %swap3A_471 = arith.constant 48 : index
        %swap3A_472 = tpu.vector_load %arg9[%swap3A_471] {strides = array<i32>} : memref<288xi32, #tpu.memory_space<vmem>>, vector<16xi32>,
        tpu.vector_store %arg9[%swap3A_471], %get3A_470 {strides = array<i32>} : memref<288xi32, #tpu.memory_space<vmem>>, vector<16xi32>,
        %get3A_473 = arith.constant 176 : index
        %get3A_474 = tpu.vector_load %arg10[%get3A_473] {strides = array<i32>} : memref<288xi32, #tpu.memory_space<vmem>>, vector<16xi32>,
        %swap3A_475 = arith.constant 48 : index
        %swap3A_476 = tpu.vector_load %arg10[%swap3A_475] {strides = array<i32>} : memref<288xi32, #tpu.memory_space<vmem>>, vector<16xi32>,
        tpu.vector_store %arg10[%swap3A_475], %get3A_474 {strides = array<i32>} : memref<288xi32, #tpu.memory_space<vmem>>, vector<16xi32>,
        %get3A_477 = arith.constant 192 : index
        %get3A_478 = tpu.vector_load %arg9[%get3A_477] {strides = array<i32>} : memref<288xi32, #tpu.memory_space<vmem>>, vector<16xi32>,
        %swap3A_479 = arith.constant 64 : index
        %swap3A_480 = tpu.vector_load %arg9[%swap3A_479] {strides = array<i32>} : memref<288xi32, #tpu.memory_space<vmem>>, vector<16xi32>,
        tpu.vector_store %arg9[%swap3A_479], %get3A_478 {strides = array<i32>} : memref<288xi32, #tpu.memory_space<vmem>>, vector<16xi32>,
        %get3A_481 = arith.constant 192 : index
        %get3A_482 = tpu.vector_load %arg10[%get3A_481] {strides = array<i32>} : memref<288xi32, #tpu.memory_space<vmem>>, vector<16xi32>,
        %swap3A_483 = arith.constant 64 : index
        %swap3A_484 = tpu.vector_load %arg10[%swap3A_483] {strides = array<i32>} : memref<288xi32, #tpu.memory_space<vmem>>, vector<16xi32>,
        tpu.vector_store %arg10[%swap3A_483], %get3A_482 {strides = array<i32>} : memref<288xi32, #tpu.memory_space<vmem>>, vector<16xi32>,
        %get3A_485 = arith.constant 208 : index
        %get3A_486 = tpu.vector_load %arg9[%get3A_485] {strides = array<i32>} : memref<288xi32, #tpu.memory_space<vmem>>, vector<16xi32>,
        %swap3A_487 = arith.constant 80 : index
        %swap3A_488 = tpu.vector_load %arg9[%swap3A_487] {strides = array<i32>} : memref<288xi32, #tpu.memory_space<vmem>>, vector<16xi32>,
        tpu.vector_store %arg9[%swap3A_487], %get3A_486 {strides = array<i32>} : memref<288xi32, #tpu.memory_space<vmem>>, vector<16xi32>,
        %get3A_489 = arith.constant 208 : index
        %get3A_490 = tpu.vector_load %arg10[%get3A_489] {strides = array<i32>} : memref<288xi32, #tpu.memory_space<vmem>>, vector<16xi32>,
        %swap3A_491 = arith.constant 80 : index
        %swap3A_492 = tpu.vector_load %arg10[%swap3A_491] {strides = array<i32>} : memref<288xi32, #tpu.memory_space<vmem>>, vector<16xi32>,
        tpu.vector_store %arg10[%swap3A_491], %get3A_490 {strides = array<i32>} : memref<288xi32, #tpu.memory_space<vmem>>, vector<16xi32>,
        %get3A_493 = arith.constant 224 : index
        %get3A_494 = tpu.vector_load %arg9[%get3A_493] {strides = array<i32>} : memref<288xi32, #tpu.memory_space<vmem>>, vector<16xi32>,
        %swap3A_495 = arith.constant 96 : index
        %swap3A_496 = tpu.vector_load %arg9[%swap3A_495] {strides = array<i32>} : memref<288xi32, #tpu.memory_space<vmem>>, vector<16xi32>,
        tpu.vector_store %arg9[%swap3A_495], %get3A_494 {strides = array<i32>} : memref<288xi32, #tpu.memory_space<vmem>>, vector<16xi32>,
        %get3A_497 = arith.constant 224 : index
        %get3A_498 = tpu.vector_load %arg10[%get3A_497] {strides = array<i32>} : memref<288xi32, #tpu.memory_space<vmem>>, vector<16xi32>,
        %swap3A_499 = arith.constant 96 : index
        %swap3A_500 = tpu.vector_load %arg10[%swap3A_499] {strides = array<i32>} : memref<288xi32, #tpu.memory_space<vmem>>, vector<16xi32>,
        tpu.vector_store %arg10[%swap3A_499], %get3A_498 {strides = array<i32>} : memref<288xi32, #tpu.memory_space<vmem>>, vector<16xi32>,
        %get3A_501 = arith.constant 240 : index
        %get3A_502 = tpu.vector_load %arg9[%get3A_501] {strides = array<i32>} : memref<288xi32, #tpu.memory_space<vmem>>, vector<16xi32>,
        %swap3A_503 = arith.constant 112 : index
        %swap3A_504 = tpu.vector_load %arg9[%swap3A_503] {strides = array<i32>} : memref<288xi32, #tpu.memory_space<vmem>>, vector<16xi32>,
        tpu.vector_store %arg9[%swap3A_503], %get3A_502 {strides = array<i32>} : memref<288xi32, #tpu.memory_space<vmem>>, vector<16xi32>,
        %get3A_505 = arith.constant 240 : index
        %get3A_506 = tpu.vector_load %arg10[%get3A_505] {strides = array<i32>} : memref<288xi32, #tpu.memory_space<vmem>>, vector<16xi32>,
        %swap3A_507 = arith.constant 112 : index
        %swap3A_508 = tpu.vector_load %arg10[%swap3A_507] {strides = array<i32>} : memref<288xi32, #tpu.memory_space<vmem>>, vector<16xi32>,
        tpu.vector_store %arg10[%swap3A_507], %get3A_506 {strides = array<i32>} : memref<288xi32, #tpu.memory_space<vmem>>, vector<16xi32>,
        %sub3A_509 = arith.constant 128 : i32
        %sub3A_510 = arith.subi %add3A_428, %sub3A_509 : i32
        scf.yield %sub3A_510 : i32
      } else {
        scf.yield %add3A_428 : i32
      }
      scf.yield %cond3A_434 : i32
    }
    %scan3A_10 = arith.constant 391 : i32
    %broadcast_in_dim3A = arith.constant 0 : i32
    %broadcast_in_dim3A_11 = vector.broadcast %broadcast_in_dim3A : i32 to vector<16xi32>
    %add3A = arith.constant 0 : i32
    %add3A_12 = arith.addi %scan3A_9, %add3A : i32
    %swap3A = arith.index_cast %add3A_12 : i32 to index
    %swap3A_13 = tpu.vector_load %arg9[%swap3A] {strides = array<i32>} : memref<288xi32, #tpu.memory_space<vmem>>, vector<16xi32>,
    tpu.vector_store %arg9[%swap3A], %broadcast_in_dim3A_11 {strides = array<i32>} : memref<288xi32, #tpu.memory_space<vmem>>, vector<16xi32>,
    %broadcast_in_dim3A_14 = arith.constant 25088 : i32
    %broadcast_in_dim3A_15 = vector.broadcast %broadcast_in_dim3A_14 : i32 to vector<16xi32>
    %add3A_16 = arith.constant 0 : i32
    %add3A_17 = arith.addi %scan3A_9, %add3A_16 : i32
    %swap3A_18 = arith.index_cast %add3A_17 : i32 to index
    %swap3A_19 = tpu.vector_load %arg10[%swap3A_18] {strides = array<i32>} : memref<288xi32, #tpu.memory_space<vmem>>, vector<16xi32>,
    tpu.vector_store %arg10[%swap3A_18], %broadcast_in_dim3A_15 {strides = array<i32>} : memref<288xi32, #tpu.memory_space<vmem>>, vector<16xi32>,
    %broadcast_in_dim3A_20 = arith.constant 0 : i32
    %broadcast_in_dim3A_21 = vector.broadcast %broadcast_in_dim3A_20 : i32 to vector<16xi32>
    %add3A_22 = arith.constant 16 : i32
    %add3A_23 = arith.addi %scan3A_9, %add3A_22 : i32
    %swap3A_24 = arith.index_cast %add3A_23 : i32 to index
    %swap3A_25 = tpu.vector_load %arg9[%swap3A_24] {strides = array<i32>} : memref<288xi32, #tpu.memory_space<vmem>>, vector<16xi32>,
    tpu.vector_store %arg9[%swap3A_24], %broadcast_in_dim3A_21 {strides = array<i32>} : memref<288xi32, #tpu.memory_space<vmem>>, vector<16xi32>,
    %broadcast_in_dim3A_26 = arith.constant 25088 : i32
    %broadcast_in_dim3A_27 = vector.broadcast %broadcast_in_dim3A_26 : i32 to vector<16xi32>
    %add3A_28 = arith.constant 16 : i32
    %add3A_29 = arith.addi %scan3A_9, %add3A_28 : i32
    %swap3A_30 = arith.index_cast %add3A_29 : i32 to index
    %swap3A_31 = tpu.vector_load %arg10[%swap3A_30] {strides = array<i32>} : memref<288xi32, #tpu.memory_space<vmem>>, vector<16xi32>,
    tpu.vector_store %arg10[%swap3A_30], %broadcast_in_dim3A_27 {strides = array<i32>} : memref<288xi32, #tpu.memory_space<vmem>>, vector<16xi32>,
    %broadcast_in_dim3A_32 = arith.constant 0 : i32
    %broadcast_in_dim3A_33 = vector.broadcast %broadcast_in_dim3A_32 : i32 to vector<16xi32>
    %add3A_34 = arith.constant 32 : i32
    %add3A_35 = arith.addi %scan3A_9, %add3A_34 : i32
    %swap3A_36 = arith.index_cast %add3A_35 : i32 to index
    %swap3A_37 = tpu.vector_load %arg9[%swap3A_36] {strides = array<i32>} : memref<288xi32, #tpu.memory_space<vmem>>, vector<16xi32>,
    tpu.vector_store %arg9[%swap3A_36], %broadcast_in_dim3A_33 {strides = array<i32>} : memref<288xi32, #tpu.memory_space<vmem>>, vector<16xi32>,
    %broadcast_in_dim3A_38 = arith.constant 25088 : i32
    %broadcast_in_dim3A_39 = vector.broadcast %broadcast_in_dim3A_38 : i32 to vector<16xi32>
    %add3A_40 = arith.constant 32 : i32
    %add3A_41 = arith.addi %scan3A_9, %add3A_40 : i32
    %swap3A_42 = arith.index_cast %add3A_41 : i32 to index
    %swap3A_43 = tpu.vector_load %arg10[%swap3A_42] {strides = array<i32>} : memref<288xi32, #tpu.memory_space<vmem>>, vector<16xi32>,
    tpu.vector_store %arg10[%swap3A_42], %broadcast_in_dim3A_39 {strides = array<i32>} : memref<288xi32, #tpu.memory_space<vmem>>, vector<16xi32>,
    %broadcast_in_dim3A_44 = arith.constant 0 : i32
    %broadcast_in_dim3A_45 = vector.broadcast %broadcast_in_dim3A_44 : i32 to vector<16xi32>
    %add3A_46 = arith.constant 48 : i32
    %add3A_47 = arith.addi %scan3A_9, %add3A_46 : i32
    %swap3A_48 = arith.index_cast %add3A_47 : i32 to index
    %swap3A_49 = tpu.vector_load %arg9[%swap3A_48] {strides = array<i32>} : memref<288xi32, #tpu.memory_space<vmem>>, vector<16xi32>,
    tpu.vector_store %arg9[%swap3A_48], %broadcast_in_dim3A_45 {strides = array<i32>} : memref<288xi32, #tpu.memory_space<vmem>>, vector<16xi32>,
    %broadcast_in_dim3A_50 = arith.constant 25088 : i32
    %broadcast_in_dim3A_51 = vector.broadcast %broadcast_in_dim3A_50 : i32 to vector<16xi32>
    %add3A_52 = arith.constant 48 : i32
    %add3A_53 = arith.addi %scan3A_9, %add3A_52 : i32
    %swap3A_54 = arith.index_cast %add3A_53 : i32 to index
    %swap3A_55 = tpu.vector_load %arg10[%swap3A_54] {strides = array<i32>} : memref<288xi32, #tpu.memory_space<vmem>>, vector<16xi32>,
    tpu.vector_store %arg10[%swap3A_54], %broadcast_in_dim3A_51 {strides = array<i32>} : memref<288xi32, #tpu.memory_space<vmem>>, vector<16xi32>,
    %broadcast_in_dim3A_56 = arith.constant 0 : i32
    %broadcast_in_dim3A_57 = vector.broadcast %broadcast_in_dim3A_56 : i32 to vector<16xi32>
    %add3A_58 = arith.constant 64 : i32
    %add3A_59 = arith.addi %scan3A_9, %add3A_58 : i32
    %swap3A_60 = arith.index_cast %add3A_59 : i32 to index
    %swap3A_61 = tpu.vector_load %arg9[%swap3A_60] {strides = array<i32>} : memref<288xi32, #tpu.memory_space<vmem>>, vector<16xi32>,
    tpu.vector_store %arg9[%swap3A_60], %broadcast_in_dim3A_57 {strides = array<i32>} : memref<288xi32, #tpu.memory_space<vmem>>, vector<16xi32>,
    %broadcast_in_dim3A_62 = arith.constant 25088 : i32
    %broadcast_in_dim3A_63 = vector.broadcast %broadcast_in_dim3A_62 : i32 to vector<16xi32>
    %add3A_64 = arith.constant 64 : i32
    %add3A_65 = arith.addi %scan3A_9, %add3A_64 : i32
    %swap3A_66 = arith.index_cast %add3A_65 : i32 to index
    %swap3A_67 = tpu.vector_load %arg10[%swap3A_66] {strides = array<i32>} : memref<288xi32, #tpu.memory_space<vmem>>, vector<16xi32>,
    tpu.vector_store %arg10[%swap3A_66], %broadcast_in_dim3A_63 {strides = array<i32>} : memref<288xi32, #tpu.memory_space<vmem>>, vector<16xi32>,
    %broadcast_in_dim3A_68 = arith.constant 0 : i32
    %broadcast_in_dim3A_69 = vector.broadcast %broadcast_in_dim3A_68 : i32 to vector<16xi32>
    %add3A_70 = arith.constant 80 : i32
    %add3A_71 = arith.addi %scan3A_9, %add3A_70 : i32
    %swap3A_72 = arith.index_cast %add3A_71 : i32 to index
    %swap3A_73 = tpu.vector_load %arg9[%swap3A_72] {strides = array<i32>} : memref<288xi32, #tpu.memory_space<vmem>>, vector<16xi32>,
    tpu.vector_store %arg9[%swap3A_72], %broadcast_in_dim3A_69 {strides = array<i32>} : memref<288xi32, #tpu.memory_space<vmem>>, vector<16xi32>,
    %broadcast_in_dim3A_74 = arith.constant 25088 : i32
    %broadcast_in_dim3A_75 = vector.broadcast %broadcast_in_dim3A_74 : i32 to vector<16xi32>
    %add3A_76 = arith.constant 80 : i32
    %add3A_77 = arith.addi %scan3A_9, %add3A_76 : i32
    %swap3A_78 = arith.index_cast %add3A_77 : i32 to index
    %swap3A_79 = tpu.vector_load %arg10[%swap3A_78] {strides = array<i32>} : memref<288xi32, #tpu.memory_space<vmem>>, vector<16xi32>,
    tpu.vector_store %arg10[%swap3A_78], %broadcast_in_dim3A_75 {strides = array<i32>} : memref<288xi32, #tpu.memory_space<vmem>>, vector<16xi32>,
    %broadcast_in_dim3A_80 = arith.constant 0 : i32
    %broadcast_in_dim3A_81 = vector.broadcast %broadcast_in_dim3A_80 : i32 to vector<16xi32>
    %add3A_82 = arith.constant 96 : i32
    %add3A_83 = arith.addi %scan3A_9, %add3A_82 : i32
    %swap3A_84 = arith.index_cast %add3A_83 : i32 to index
    %swap3A_85 = tpu.vector_load %arg9[%swap3A_84] {strides = array<i32>} : memref<288xi32, #tpu.memory_space<vmem>>, vector<16xi32>,
    tpu.vector_store %arg9[%swap3A_84], %broadcast_in_dim3A_81 {strides = array<i32>} : memref<288xi32, #tpu.memory_space<vmem>>, vector<16xi32>,
    %broadcast_in_dim3A_86 = arith.constant 25088 : i32
    %broadcast_in_dim3A_87 = vector.broadcast %broadcast_in_dim3A_86 : i32 to vector<16xi32>
    %add3A_88 = arith.constant 96 : i32
    %add3A_89 = arith.addi %scan3A_9, %add3A_88 : i32
    %swap3A_90 = arith.index_cast %add3A_89 : i32 to index
    %swap3A_91 = tpu.vector_load %arg10[%swap3A_90] {strides = array<i32>} : memref<288xi32, #tpu.memory_space<vmem>>, vector<16xi32>,
    tpu.vector_store %arg10[%swap3A_90], %broadcast_in_dim3A_87 {strides = array<i32>} : memref<288xi32, #tpu.memory_space<vmem>>, vector<16xi32>,
    %broadcast_in_dim3A_92 = arith.constant 0 : i32
    %broadcast_in_dim3A_93 = vector.broadcast %broadcast_in_dim3A_92 : i32 to vector<16xi32>
    %add3A_94 = arith.constant 112 : i32
    %add3A_95 = arith.addi %scan3A_9, %add3A_94 : i32
    %swap3A_96 = arith.index_cast %add3A_95 : i32 to index
    %swap3A_97 = tpu.vector_load %arg9[%swap3A_96] {strides = array<i32>} : memref<288xi32, #tpu.memory_space<vmem>>, vector<16xi32>,
    tpu.vector_store %arg9[%swap3A_96], %broadcast_in_dim3A_93 {strides = array<i32>} : memref<288xi32, #tpu.memory_space<vmem>>, vector<16xi32>,
    %broadcast_in_dim3A_98 = arith.constant 25088 : i32
    %broadcast_in_dim3A_99 = vector.broadcast %broadcast_in_dim3A_98 : i32 to vector<16xi32>
    %add3A_100 = arith.constant 112 : i32
    %add3A_101 = arith.addi %scan3A_9, %add3A_100 : i32
    %swap3A_102 = arith.index_cast %add3A_101 : i32 to index
    %swap3A_103 = tpu.vector_load %arg10[%swap3A_102] {strides = array<i32>} : memref<288xi32, #tpu.memory_space<vmem>>, vector<16xi32>,
    tpu.vector_store %arg10[%swap3A_102], %broadcast_in_dim3A_99 {strides = array<i32>} : memref<288xi32, #tpu.memory_space<vmem>>, vector<16xi32>,
    %dma_start3A = arith.constant 0 : i32
    %dma_start3A_104 = tpu.memref_slice %arg9[%dma_start3A] : memref<288xi32, #tpu.memory_space<vmem>> -> memref<128xi32, #tpu.memory_space<vmem>>
    %dma_start3A_105 = arith.constant 0 : i32
    %dma_start3A_106 = arith.constant 0 : i32
    %dma_start3A_107 = tpu.memref_slice %arg2[%dma_start3A_105, %dma_start3A_106] : memref<50176x64xf32, #tpu.memory_space<hbm>> -> memref<50176x64xf32, #tpu.memory_space<hbm>>
    tpu.enqueue_indirect_dma source(%dma_start3A_107 : memref<50176x64xf32, #tpu.memory_space<hbm>>) target(%arg11 : memref<128x64xf32, #tpu.memory_space<vmem>>) offsets(%dma_start3A_104 : memref<128xi32, #tpu.memory_space<vmem>>) semaphore(%arg13 : memref<!tpu.dma_semaphore, #tpu.memory_space<semaphore_mem>>)
    %dma_wait3A = arith.constant 0 : i32
    %dma_wait3A_108 = tpu.memref_slice %arg9[%dma_wait3A] : memref<288xi32, #tpu.memory_space<vmem>> -> memref<128xi32, #tpu.memory_space<vmem>>
    %dma_wait3A_109 = arith.constant 0 : i32
    %dma_wait3A_110 = arith.constant 0 : i32
    %dma_wait3A_111 = tpu.memref_slice %arg2[%dma_wait3A_109, %dma_wait3A_110] : memref<50176x64xf32, #tpu.memory_space<hbm>> -> memref<50176x64xf32, #tpu.memory_space<hbm>>
    tpu.wait_indirect_dma semaphore(%arg13 : memref<!tpu.dma_semaphore, #tpu.memory_space<semaphore_mem>>) src(%dma_wait3A_111 : memref<50176x64xf32, #tpu.memory_space<hbm>>) dst(%arg11 : memref<128x64xf32, #tpu.memory_space<vmem>>)
    "tpu.region"() ({
      %run_scoped3A = tpu.sem_alloc : memref<!tpu.dma_semaphore, #tpu.memory_space<semaphore_mem>>
      %dma_start3A_181 = arith.constant 0 : i32
      %dma_start3A_182 = tpu.memref_slice %arg10[%dma_start3A_181] : memref<288xi32, #tpu.memory_space<vmem>> -> memref<128xi32, #tpu.memory_space<vmem>>
      %dma_start3A_183 = arith.constant 0 : i32
      %dma_start3A_184 = arith.constant 0 : i32
      %dma_start3A_185 = tpu.memref_slice %arg12[%dma_start3A_183, %dma_start3A_184] : memref<25096x64xf32, #tpu.memory_space<vmem_shared>> -> memref<25096x64xf32, #tpu.memory_space<vmem_shared>>
      tpu.enqueue_indirect_dma source(%arg11 : memref<128x64xf32, #tpu.memory_space<vmem>>) target(%dma_start3A_185 : memref<25096x64xf32, #tpu.memory_space<vmem_shared>>) offsets(%dma_start3A_182 : memref<128xi32, #tpu.memory_space<vmem>>) semaphore(%run_scoped3A : memref<!tpu.dma_semaphore, #tpu.memory_space<semaphore_mem>>) {add = true}
      %dma_wait3A_186 = arith.constant 0 : i32
      %dma_wait3A_187 = tpu.memref_slice %arg10[%dma_wait3A_186] : memref<288xi32, #tpu.memory_space<vmem>> -> memref<128xi32, #tpu.memory_space<vmem>>
      %dma_wait3A_188 = arith.constant 0 : i32
      %dma_wait3A_189 = arith.constant 0 : i32
      %dma_wait3A_190 = tpu.memref_slice %arg12[%dma_wait3A_188, %dma_wait3A_189] : memref<25096x64xf32, #tpu.memory_space<vmem_shared>> -> memref<25096x64xf32, #tpu.memory_space<vmem_shared>>
      tpu.wait_indirect_dma semaphore(%run_scoped3A : memref<!tpu.dma_semaphore, #tpu.memory_space<semaphore_mem>>) src(%arg11 : memref<128x64xf32, #tpu.memory_space<vmem>>) dst(%dma_wait3A_190 : memref<25096x64xf32, #tpu.memory_space<vmem_shared>>)
      tpu.yield
    }) : () -> ()
    %get3A = arith.constant 128 : index
    %get3A_112 = tpu.vector_load %arg9[%get3A] {strides = array<i32>} : memref<288xi32, #tpu.memory_space<vmem>>, vector<16xi32>,
    %swap3A_113 = arith.constant 0 : index
    %swap3A_114 = tpu.vector_load %arg9[%swap3A_113] {strides = array<i32>} : memref<288xi32, #tpu.memory_space<vmem>>, vector<16xi32>,
    tpu.vector_store %arg9[%swap3A_113], %get3A_112 {strides = array<i32>} : memref<288xi32, #tpu.memory_space<vmem>>, vector<16xi32>,
    %get3A_115 = arith.constant 128 : index
    %get3A_116 = tpu.vector_load %arg10[%get3A_115] {strides = array<i32>} : memref<288xi32, #tpu.memory_space<vmem>>, vector<16xi32>,
    %swap3A_117 = arith.constant 0 : index
    %swap3A_118 = tpu.vector_load %arg10[%swap3A_117] {strides = array<i32>} : memref<288xi32, #tpu.memory_space<vmem>>, vector<16xi32>,
    tpu.vector_store %arg10[%swap3A_117], %get3A_116 {strides = array<i32>} : memref<288xi32, #tpu.memory_space<vmem>>, vector<16xi32>,
    %get3A_119 = arith.constant 144 : index
    %get3A_120 = tpu.vector_load %arg9[%get3A_119] {strides = array<i32>} : memref<288xi32, #tpu.memory_space<vmem>>, vector<16xi32>,
    %swap3A_121 = arith.constant 16 : index
    %swap3A_122 = tpu.vector_load %arg9[%swap3A_121] {strides = array<i32>} : memref<288xi32, #tpu.memory_space<vmem>>, vector<16xi32>,
    tpu.vector_store %arg9[%swap3A_121], %get3A_120 {strides = array<i32>} : memref<288xi32, #tpu.memory_space<vmem>>, vector<16xi32>,
    %get3A_123 = arith.constant 144 : index
    %get3A_124 = tpu.vector_load %arg10[%get3A_123] {strides = array<i32>} : memref<288xi32, #tpu.memory_space<vmem>>, vector<16xi32>,
    %swap3A_125 = arith.constant 16 : index
    %swap3A_126 = tpu.vector_load %arg10[%swap3A_125] {strides = array<i32>} : memref<288xi32, #tpu.memory_space<vmem>>, vector<16xi32>,
    tpu.vector_store %arg10[%swap3A_125], %get3A_124 {strides = array<i32>} : memref<288xi32, #tpu.memory_space<vmem>>, vector<16xi32>,
    %get3A_127 = arith.constant 160 : index
    %get3A_128 = tpu.vector_load %arg9[%get3A_127] {strides = array<i32>} : memref<288xi32, #tpu.memory_space<vmem>>, vector<16xi32>,
    %swap3A_129 = arith.constant 32 : index
    %swap3A_130 = tpu.vector_load %arg9[%swap3A_129] {strides = array<i32>} : memref<288xi32, #tpu.memory_space<vmem>>, vector<16xi32>,
    tpu.vector_store %arg9[%swap3A_129], %get3A_128 {strides = array<i32>} : memref<288xi32, #tpu.memory_space<vmem>>, vector<16xi32>,
    %get3A_131 = arith.constant 160 : index
    %get3A_132 = tpu.vector_load %arg10[%get3A_131] {strides = array<i32>} : memref<288xi32, #tpu.memory_space<vmem>>, vector<16xi32>,
    %swap3A_133 = arith.constant 32 : index
    %swap3A_134 = tpu.vector_load %arg10[%swap3A_133] {strides = array<i32>} : memref<288xi32, #tpu.memory_space<vmem>>, vector<16xi32>,
    tpu.vector_store %arg10[%swap3A_133], %get3A_132 {strides = array<i32>} : memref<288xi32, #tpu.memory_space<vmem>>, vector<16xi32>,
    %get3A_135 = arith.constant 176 : index
    %get3A_136 = tpu.vector_load %arg9[%get3A_135] {strides = array<i32>} : memref<288xi32, #tpu.memory_space<vmem>>, vector<16xi32>,
    %swap3A_137 = arith.constant 48 : index
    %swap3A_138 = tpu.vector_load %arg9[%swap3A_137] {strides = array<i32>} : memref<288xi32, #tpu.memory_space<vmem>>, vector<16xi32>,
    tpu.vector_store %arg9[%swap3A_137], %get3A_136 {strides = array<i32>} : memref<288xi32, #tpu.memory_space<vmem>>, vector<16xi32>,
    %get3A_139 = arith.constant 176 : index
    %get3A_140 = tpu.vector_load %arg10[%get3A_139] {strides = array<i32>} : memref<288xi32, #tpu.memory_space<vmem>>, vector<16xi32>,
    %swap3A_141 = arith.constant 48 : index
    %swap3A_142 = tpu.vector_load %arg10[%swap3A_141] {strides = array<i32>} : memref<288xi32, #tpu.memory_space<vmem>>, vector<16xi32>,
    tpu.vector_store %arg10[%swap3A_141], %get3A_140 {strides = array<i32>} : memref<288xi32, #tpu.memory_space<vmem>>, vector<16xi32>,
    %get3A_143 = arith.constant 192 : index
    %get3A_144 = tpu.vector_load %arg9[%get3A_143] {strides = array<i32>} : memref<288xi32, #tpu.memory_space<vmem>>, vector<16xi32>,
    %swap3A_145 = arith.constant 64 : index
    %swap3A_146 = tpu.vector_load %arg9[%swap3A_145] {strides = array<i32>} : memref<288xi32, #tpu.memory_space<vmem>>, vector<16xi32>,
    tpu.vector_store %arg9[%swap3A_145], %get3A_144 {strides = array<i32>} : memref<288xi32, #tpu.memory_space<vmem>>, vector<16xi32>,
    %get3A_147 = arith.constant 192 : index
    %get3A_148 = tpu.vector_load %arg10[%get3A_147] {strides = array<i32>} : memref<288xi32, #tpu.memory_space<vmem>>, vector<16xi32>,
    %swap3A_149 = arith.constant 64 : index
    %swap3A_150 = tpu.vector_load %arg10[%swap3A_149] {strides = array<i32>} : memref<288xi32, #tpu.memory_space<vmem>>, vector<16xi32>,
    tpu.vector_store %arg10[%swap3A_149], %get3A_148 {strides = array<i32>} : memref<288xi32, #tpu.memory_space<vmem>>, vector<16xi32>,
    %get3A_151 = arith.constant 208 : index
    %get3A_152 = tpu.vector_load %arg9[%get3A_151] {strides = array<i32>} : memref<288xi32, #tpu.memory_space<vmem>>, vector<16xi32>,
    %swap3A_153 = arith.constant 80 : index
    %swap3A_154 = tpu.vector_load %arg9[%swap3A_153] {strides = array<i32>} : memref<288xi32, #tpu.memory_space<vmem>>, vector<16xi32>,
    tpu.vector_store %arg9[%swap3A_153], %get3A_152 {strides = array<i32>} : memref<288xi32, #tpu.memory_space<vmem>>, vector<16xi32>,
    %get3A_155 = arith.constant 208 : index
    %get3A_156 = tpu.vector_load %arg10[%get3A_155] {strides = array<i32>} : memref<288xi32, #tpu.memory_space<vmem>>, vector<16xi32>,
    %swap3A_157 = arith.constant 80 : index
    %swap3A_158 = tpu.vector_load %arg10[%swap3A_157] {strides = array<i32>} : memref<288xi32, #tpu.memory_space<vmem>>, vector<16xi32>,
    tpu.vector_store %arg10[%swap3A_157], %get3A_156 {strides = array<i32>} : memref<288xi32, #tpu.memory_space<vmem>>, vector<16xi32>,
    %get3A_159 = arith.constant 224 : index
    %get3A_160 = tpu.vector_load %arg9[%get3A_159] {strides = array<i32>} : memref<288xi32, #tpu.memory_space<vmem>>, vector<16xi32>,
    %swap3A_161 = arith.constant 96 : index
    %swap3A_162 = tpu.vector_load %arg9[%swap3A_161] {strides = array<i32>} : memref<288xi32, #tpu.memory_space<vmem>>, vector<16xi32>,
    tpu.vector_store %arg9[%swap3A_161], %get3A_160 {strides = array<i32>} : memref<288xi32, #tpu.memory_space<vmem>>, vector<16xi32>,
    %get3A_163 = arith.constant 224 : index
    %get3A_164 = tpu.vector_load %arg10[%get3A_163] {strides = array<i32>} : memref<288xi32, #tpu.memory_space<vmem>>, vector<16xi32>,
    %swap3A_165 = arith.constant 96 : index
    %swap3A_166 = tpu.vector_load %arg10[%swap3A_165] {strides = array<i32>} : memref<288xi32, #tpu.memory_space<vmem>>, vector<16xi32>,
    tpu.vector_store %arg10[%swap3A_165], %get3A_164 {strides = array<i32>} : memref<288xi32, #tpu.memory_space<vmem>>, vector<16xi32>,
    %get3A_167 = arith.constant 240 : index
    %get3A_168 = tpu.vector_load %arg9[%get3A_167] {strides = array<i32>} : memref<288xi32, #tpu.memory_space<vmem>>, vector<16xi32>,
    %swap3A_169 = arith.constant 112 : index
    %swap3A_170 = tpu.vector_load %arg9[%swap3A_169] {strides = array<i32>} : memref<288xi32, #tpu.memory_space<vmem>>, vector<16xi32>,
    tpu.vector_store %arg9[%swap3A_169], %get3A_168 {strides = array<i32>} : memref<288xi32, #tpu.memory_space<vmem>>, vector<16xi32>,
    %get3A_171 = arith.constant 240 : index
    %get3A_172 = tpu.vector_load %arg10[%get3A_171] {strides = array<i32>} : memref<288xi32, #tpu.memory_space<vmem>>, vector<16xi32>,
    %swap3A_173 = arith.constant 112 : index
    %swap3A_174 = tpu.vector_load %arg10[%swap3A_173] {strides = array<i32>} : memref<288xi32, #tpu.memory_space<vmem>>, vector<16xi32>,
    tpu.vector_store %arg10[%swap3A_173], %get3A_172 {strides = array<i32>} : memref<288xi32, #tpu.memory_space<vmem>>, vector<16xi32>,
    %barrier3A_175 = arith.constant 0 : index
    tpu.barrier barrier_id(%barrier3A_175)
    %mul3A_176 = arith.constant 1568 : i32
    %mul3A_177 = arith.muli %arg1, %mul3A_176 : i32
    %mul3A_178 = arith.constant 1568 : i32
    %mul3A_179 = arith.muli %arg1, %mul3A_178 : i32
    %add3A_180 = arith.addi %mul3A_0, %mul3A_179 : i32
    "tpu.region"() ({
      %run_scoped3A = tpu.sem_alloc : memref<!tpu.dma_semaphore, #tpu.memory_space<semaphore_mem>>
      %dma_start3A_181 = arith.constant 0 : i32
      %dma_start3A_182 = tpu.memref_slice %arg6[%add3A_180, %dma_start3A_181] : memref<50176x64xf32, #tpu.memory_space<hbm>> -> memref<1568x64xf32, #tpu.memory_space<hbm>>
      %dma_start3A_183 = arith.constant 0 : i32
      %dma_start3A_184 = tpu.memref_slice %arg12[%mul3A_177, %dma_start3A_183] : memref<25096x64xf32, #tpu.memory_space<vmem_shared>> -> memref<1568x64xf32, #tpu.memory_space<vmem_shared>>
      tpu.enqueue_dma source(%dma_start3A_184 : memref<1568x64xf32, #tpu.memory_space<vmem_shared>>) target(%dma_start3A_182 : memref<1568x64xf32, #tpu.memory_space<hbm>>) target_semaphore(%run_scoped3A : memref<!tpu.dma_semaphore, #tpu.memory_space<semaphore_mem>>)
      %dma_wait3A_185 = arith.constant 0 : i32
      %dma_wait3A_186 = tpu.memref_slice %arg6[%add3A_180, %dma_wait3A_185] : memref<50176x64xf32, #tpu.memory_space<hbm>> -> memref<1568x64xf32, #tpu.memory_space<hbm>>
      %dma_wait3A_187 = arith.constant 0 : i32
      %dma_wait3A_188 = tpu.memref_slice %arg12[%mul3A_177, %dma_wait3A_187] : memref<25096x64xf32, #tpu.memory_space<vmem_shared>> -> memref<1568x64xf32, #tpu.memory_space<vmem_shared>>
      tpu.wait_dma2 semaphore(%run_scoped3A : memref<!tpu.dma_semaphore, #tpu.memory_space<semaphore_mem>>) src(%dma_wait3A_188 : memref<1568x64xf32, #tpu.memory_space<vmem_shared>>) dst(%dma_wait3A_186 : memref<1568x64xf32, #tpu.memory_space<hbm>>)
      tpu.yield
    }) : () -> ()
    return
  }
}

#map = affine_map<(d0, d1) -> (0, 0)>
#map1 = affine_map<(d0, d1) -> (0)>
#map2 = affine_map<(d0, d1) -> (0, 0, 0)>
module attributes {stable_mosaic.version = 14 : i64} {
  func.func @k(%arg0: i32, %arg1: i32, %arg2: memref<50176x80xf32, #tpu.memory_space<hbm>>, %arg3: memref<50176xi32, #tpu.memory_space<hbm>>, %arg4: memref<129x80xf32, #tpu.memory_space<hbm>>, %arg5: memref<2x2048x80xf32, #tpu.memory_space<hbm>>, %arg6: memref<128xi32, #tpu.memory_space<vmem>>, %arg7: memref<128x80xf32, #tpu.memory_space<vmem>>, %arg8: memref<32xi32, #tpu.memory_space<vmem>>, %arg9: memref<32x80xf32, #tpu.memory_space<vmem>>, %arg10: memref<2064x80xf32, #tpu.memory_space<vmem_shared>>) attributes {dimension_semantics = [#tpu.dimension_semantics<core_parallel>, #tpu.dimension_semantics<subcore_parallel>], iteration_bounds = array<i64: 2, 16>, scalar_prefetch = 0 : i64, scratch_operands = 5 : i64, tpu.core_type = #tpu.core_type<sc_vector_subcore>, window_params = [{transform_indices = #map}, {transform_indices = #map1}, {transform_indices = #map}, {transform_indices = #map2}]} {
    %mul3A = arith.constant 129 : i32
    %mul3A_0 = arith.muli %arg1, %mul3A : i32
    "tpu.region"() ({
      %run_scoped3A = tpu.sem_alloc : memref<!tpu.dma_semaphore, #tpu.memory_space<semaphore_mem>>
      %dma_start3A = arith.constant 0 : i32
      %dma_start3A_17 = tpu.memref_slice %arg10[%mul3A_0, %dma_start3A] : memref<2064x80xf32, #tpu.memory_space<vmem_shared>> -> memref<129x80xf32, #tpu.memory_space<vmem_shared>>
      tpu.enqueue_dma source(%arg4 : memref<129x80xf32, #tpu.memory_space<hbm>>) target(%dma_start3A_17 : memref<129x80xf32, #tpu.memory_space<vmem_shared>>) target_semaphore(%run_scoped3A : memref<!tpu.dma_semaphore, #tpu.memory_space<semaphore_mem>>)
      %dma_wait3A = arith.constant 0 : i32
      %dma_wait3A_18 = tpu.memref_slice %arg10[%mul3A_0, %dma_wait3A] : memref<2064x80xf32, #tpu.memory_space<vmem_shared>> -> memref<129x80xf32, #tpu.memory_space<vmem_shared>>
      tpu.wait_dma2 semaphore(%run_scoped3A : memref<!tpu.dma_semaphore, #tpu.memory_space<semaphore_mem>>) src(%arg4 : memref<129x80xf32, #tpu.memory_space<hbm>>) dst(%dma_wait3A_18 : memref<129x80xf32, #tpu.memory_space<vmem_shared>>)
      tpu.yield
    }) : () -> ()
    %barrier3A = arith.constant 0 : index
    tpu.barrier barrier_id(%barrier3A)
    %scan3A = arith.constant 0 : i32
    %scan3A_1 = arith.constant 0 : i32
    %scan3A_2 = arith.constant 12 : i32
    %scan3A_3 = arith.addi %scan3A_1, %scan3A_2 : i32
    %scan3A_4 = arith.constant 1 : i32
    scf.for %scan3A_17 = %scan3A_1 to %scan3A_3 step %scan3A_4  : i32 {
      %mul3A_18 = arith.constant 16 : i32
      %mul3A_19 = arith.muli %arg0, %mul3A_18 : i32
      %add3A_20 = arith.addi %mul3A_19, %arg1 : i32
      %mul3A_21 = arith.constant 1568 : i32
      %mul3A_22 = arith.muli %add3A_20, %mul3A_21 : i32
      %mul3A_23 = arith.constant 128 : i32
      %mul3A_24 = arith.muli %scan3A_17, %mul3A_23 : i32
      %add3A_25 = arith.addi %mul3A_22, %mul3A_24 : i32
      "tpu.region"() ({
        %run_scoped3A = tpu.sem_alloc : memref<!tpu.dma_semaphore, #tpu.memory_space<semaphore_mem>>
        %dma_start3A = arith.constant 0 : i32
        %dma_start3A_26 = tpu.memref_slice %arg2[%add3A_25, %dma_start3A] : memref<50176x80xf32, #tpu.memory_space<hbm>> -> memref<128x80xf32, #tpu.memory_space<hbm>>
        %dma_start3A_27 = arith.constant 0 : i32
        %dma_start3A_28 = tpu.memref_slice %arg2[%add3A_25, %dma_start3A_27] : memref<50176x80xf32, #tpu.memory_space<hbm>> -> memref<128x80xf32, #tpu.memory_space<hbm>>
        tpu.enqueue_dma source(%dma_start3A_28 : memref<128x80xf32, #tpu.memory_space<hbm>>) target(%arg7 : memref<128x80xf32, #tpu.memory_space<vmem>>) target_semaphore(%run_scoped3A : memref<!tpu.dma_semaphore, #tpu.memory_space<semaphore_mem>>)
        %dma_wait3A = arith.constant 0 : i32
        %dma_wait3A_29 = tpu.memref_slice %arg2[%add3A_25, %dma_wait3A] : memref<50176x80xf32, #tpu.memory_space<hbm>> -> memref<128x80xf32, #tpu.memory_space<hbm>>
        %dma_wait3A_30 = arith.constant 0 : i32
        %dma_wait3A_31 = tpu.memref_slice %arg2[%add3A_25, %dma_wait3A_30] : memref<50176x80xf32, #tpu.memory_space<hbm>> -> memref<128x80xf32, #tpu.memory_space<hbm>>
        tpu.wait_dma2 semaphore(%run_scoped3A : memref<!tpu.dma_semaphore, #tpu.memory_space<semaphore_mem>>) src(%dma_wait3A_31 : memref<128x80xf32, #tpu.memory_space<hbm>>) dst(%arg7 : memref<128x80xf32, #tpu.memory_space<vmem>>)
        tpu.yield
      }) : () -> ()
      "tpu.region"() ({
        %run_scoped3A = tpu.sem_alloc : memref<!tpu.dma_semaphore, #tpu.memory_space<semaphore_mem>>
        %dma_start3A = tpu.memref_slice %arg3[%add3A_25] : memref<50176xi32, #tpu.memory_space<hbm>> -> memref<128xi32, #tpu.memory_space<hbm>>
        %dma_start3A_26 = tpu.memref_slice %arg3[%add3A_25] : memref<50176xi32, #tpu.memory_space<hbm>> -> memref<128xi32, #tpu.memory_space<hbm>>
        tpu.enqueue_dma source(%dma_start3A_26 : memref<128xi32, #tpu.memory_space<hbm>>) target(%arg6 : memref<128xi32, #tpu.memory_space<vmem>>) target_semaphore(%run_scoped3A : memref<!tpu.dma_semaphore, #tpu.memory_space<semaphore_mem>>)
        %dma_wait3A = tpu.memref_slice %arg3[%add3A_25] : memref<50176xi32, #tpu.memory_space<hbm>> -> memref<128xi32, #tpu.memory_space<hbm>>
        %dma_wait3A_27 = tpu.memref_slice %arg3[%add3A_25] : memref<50176xi32, #tpu.memory_space<hbm>> -> memref<128xi32, #tpu.memory_space<hbm>>
        tpu.wait_dma2 semaphore(%run_scoped3A : memref<!tpu.dma_semaphore, #tpu.memory_space<semaphore_mem>>) src(%dma_wait3A_27 : memref<128xi32, #tpu.memory_space<hbm>>) dst(%arg6 : memref<128xi32, #tpu.memory_space<vmem>>)
        tpu.yield
      }) : () -> ()
      "tpu.region"() ({
        %run_scoped3A = tpu.sem_alloc : memref<!tpu.dma_semaphore, #tpu.memory_space<semaphore_mem>>
        %dma_start3A = arith.constant 0 : i32
        %dma_start3A_26 = arith.constant 0 : i32
        %dma_start3A_27 = tpu.memref_slice %arg10[%dma_start3A, %dma_start3A_26] : memref<2064x80xf32, #tpu.memory_space<vmem_shared>> -> memref<2064x80xf32, #tpu.memory_space<vmem_shared>>
        tpu.enqueue_indirect_dma source(%arg7 : memref<128x80xf32, #tpu.memory_space<vmem>>) target(%dma_start3A_27 : memref<2064x80xf32, #tpu.memory_space<vmem_shared>>) offsets(%arg6 : memref<128xi32, #tpu.memory_space<vmem>>) semaphore(%run_scoped3A : memref<!tpu.dma_semaphore, #tpu.memory_space<semaphore_mem>>) {add = true}
        %dma_wait3A = arith.constant 0 : i32
        %dma_wait3A_28 = arith.constant 0 : i32
        %dma_wait3A_29 = tpu.memref_slice %arg10[%dma_wait3A, %dma_wait3A_28] : memref<2064x80xf32, #tpu.memory_space<vmem_shared>> -> memref<2064x80xf32, #tpu.memory_space<vmem_shared>>
        tpu.wait_indirect_dma semaphore(%run_scoped3A : memref<!tpu.dma_semaphore, #tpu.memory_space<semaphore_mem>>) src(%arg7 : memref<128x80xf32, #tpu.memory_space<vmem>>) dst(%dma_wait3A_29 : memref<2064x80xf32, #tpu.memory_space<vmem_shared>>)
        tpu.yield
      }) : () -> ()
    }
    %scan3A_5 = arith.constant 12 : i32
    %mul3A_6 = arith.constant 16 : i32
    %mul3A_7 = arith.muli %arg0, %mul3A_6 : i32
    %add3A = arith.addi %mul3A_7, %arg1 : i32
    %mul3A_8 = arith.constant 1568 : i32
    %mul3A_9 = arith.muli %add3A, %mul3A_8 : i32
    %add3A_10 = arith.constant 1536 : i32
    %add3A_11 = arith.addi %mul3A_9, %add3A_10 : i32
    "tpu.region"() ({
      %run_scoped3A = tpu.sem_alloc : memref<!tpu.dma_semaphore, #tpu.memory_space<semaphore_mem>>
      %dma_start3A = arith.constant 0 : i32
      %dma_start3A_17 = tpu.memref_slice %arg2[%add3A_11, %dma_start3A] : memref<50176x80xf32, #tpu.memory_space<hbm>> -> memref<32x80xf32, #tpu.memory_space<hbm>>
      %dma_start3A_18 = arith.constant 0 : i32
      %dma_start3A_19 = tpu.memref_slice %arg2[%add3A_11, %dma_start3A_18] : memref<50176x80xf32, #tpu.memory_space<hbm>> -> memref<32x80xf32, #tpu.memory_space<hbm>>
      tpu.enqueue_dma source(%dma_start3A_19 : memref<32x80xf32, #tpu.memory_space<hbm>>) target(%arg9 : memref<32x80xf32, #tpu.memory_space<vmem>>) target_semaphore(%run_scoped3A : memref<!tpu.dma_semaphore, #tpu.memory_space<semaphore_mem>>)
      %dma_wait3A = arith.constant 0 : i32
      %dma_wait3A_20 = tpu.memref_slice %arg2[%add3A_11, %dma_wait3A] : memref<50176x80xf32, #tpu.memory_space<hbm>> -> memref<32x80xf32, #tpu.memory_space<hbm>>
      %dma_wait3A_21 = arith.constant 0 : i32
      %dma_wait3A_22 = tpu.memref_slice %arg2[%add3A_11, %dma_wait3A_21] : memref<50176x80xf32, #tpu.memory_space<hbm>> -> memref<32x80xf32, #tpu.memory_space<hbm>>
      tpu.wait_dma2 semaphore(%run_scoped3A : memref<!tpu.dma_semaphore, #tpu.memory_space<semaphore_mem>>) src(%dma_wait3A_22 : memref<32x80xf32, #tpu.memory_space<hbm>>) dst(%arg9 : memref<32x80xf32, #tpu.memory_space<vmem>>)
      tpu.yield
    }) : () -> ()
    "tpu.region"() ({
      %run_scoped3A = tpu.sem_alloc : memref<!tpu.dma_semaphore, #tpu.memory_space<semaphore_mem>>
      %dma_start3A = tpu.memref_slice %arg3[%add3A_11] : memref<50176xi32, #tpu.memory_space<hbm>> -> memref<32xi32, #tpu.memory_space<hbm>>
      %dma_start3A_17 = tpu.memref_slice %arg3[%add3A_11] : memref<50176xi32, #tpu.memory_space<hbm>> -> memref<32xi32, #tpu.memory_space<hbm>>
      tpu.enqueue_dma source(%dma_start3A_17 : memref<32xi32, #tpu.memory_space<hbm>>) target(%arg8 : memref<32xi32, #tpu.memory_space<vmem>>) target_semaphore(%run_scoped3A : memref<!tpu.dma_semaphore, #tpu.memory_space<semaphore_mem>>)
      %dma_wait3A = tpu.memref_slice %arg3[%add3A_11] : memref<50176xi32, #tpu.memory_space<hbm>> -> memref<32xi32, #tpu.memory_space<hbm>>
      %dma_wait3A_18 = tpu.memref_slice %arg3[%add3A_11] : memref<50176xi32, #tpu.memory_space<hbm>> -> memref<32xi32, #tpu.memory_space<hbm>>
      tpu.wait_dma2 semaphore(%run_scoped3A : memref<!tpu.dma_semaphore, #tpu.memory_space<semaphore_mem>>) src(%dma_wait3A_18 : memref<32xi32, #tpu.memory_space<hbm>>) dst(%arg8 : memref<32xi32, #tpu.memory_space<vmem>>)
      tpu.yield
    }) : () -> ()
    "tpu.region"() ({
      %run_scoped3A = tpu.sem_alloc : memref<!tpu.dma_semaphore, #tpu.memory_space<semaphore_mem>>
      %dma_start3A = arith.constant 0 : i32
      %dma_start3A_17 = arith.constant 0 : i32
      %dma_start3A_18 = tpu.memref_slice %arg10[%dma_start3A, %dma_start3A_17] : memref<2064x80xf32, #tpu.memory_space<vmem_shared>> -> memref<2064x80xf32, #tpu.memory_space<vmem_shared>>
      tpu.enqueue_indirect_dma source(%arg9 : memref<32x80xf32, #tpu.memory_space<vmem>>) target(%dma_start3A_18 : memref<2064x80xf32, #tpu.memory_space<vmem_shared>>) offsets(%arg8 : memref<32xi32, #tpu.memory_space<vmem>>) semaphore(%run_scoped3A : memref<!tpu.dma_semaphore, #tpu.memory_space<semaphore_mem>>) {add = true}
      %dma_wait3A = arith.constant 0 : i32
      %dma_wait3A_19 = arith.constant 0 : i32
      %dma_wait3A_20 = tpu.memref_slice %arg10[%dma_wait3A, %dma_wait3A_19] : memref<2064x80xf32, #tpu.memory_space<vmem_shared>> -> memref<2064x80xf32, #tpu.memory_space<vmem_shared>>
      tpu.wait_indirect_dma semaphore(%run_scoped3A : memref<!tpu.dma_semaphore, #tpu.memory_space<semaphore_mem>>) src(%arg9 : memref<32x80xf32, #tpu.memory_space<vmem>>) dst(%dma_wait3A_20 : memref<2064x80xf32, #tpu.memory_space<vmem_shared>>)
      tpu.yield
    }) : () -> ()
    %barrier3A_12 = arith.constant 0 : index
    tpu.barrier barrier_id(%barrier3A_12)
    %mul3A_13 = arith.constant 128 : i32
    %mul3A_14 = arith.muli %arg1, %mul3A_13 : i32
    %mul3A_15 = arith.constant 128 : i32
    %mul3A_16 = arith.muli %arg1, %mul3A_15 : i32
    "tpu.region"() ({
      %run_scoped3A = tpu.sem_alloc : memref<!tpu.dma_semaphore, #tpu.memory_space<semaphore_mem>>
      %dma_start3A = arith.constant 0 : i32
      %dma_start3A_17 = tpu.memref_slice %arg5[%arg0, %mul3A_16, %dma_start3A] : memref<2x2048x80xf32, #tpu.memory_space<hbm>> -> memref<1x128x80xf32, #tpu.memory_space<hbm>>
      %dma_start3A_18 = tpu.memref_squeeze %dma_start3A_17 : memref<1x128x80xf32, #tpu.memory_space<hbm>> -> memref<128x80xf32, #tpu.memory_space<hbm>>
      %dma_start3A_19 = arith.constant 0 : i32
      %dma_start3A_20 = tpu.memref_slice %arg10[%mul3A_14, %dma_start3A_19] : memref<2064x80xf32, #tpu.memory_space<vmem_shared>> -> memref<128x80xf32, #tpu.memory_space<vmem_shared>>
      tpu.enqueue_dma source(%dma_start3A_20 : memref<128x80xf32, #tpu.memory_space<vmem_shared>>) target(%dma_start3A_18 : memref<128x80xf32, #tpu.memory_space<hbm>>) target_semaphore(%run_scoped3A : memref<!tpu.dma_semaphore, #tpu.memory_space<semaphore_mem>>)
      %dma_wait3A = arith.constant 0 : i32
      %dma_wait3A_21 = tpu.memref_slice %arg5[%arg0, %mul3A_16, %dma_wait3A] : memref<2x2048x80xf32, #tpu.memory_space<hbm>> -> memref<1x128x80xf32, #tpu.memory_space<hbm>>
      %dma_wait3A_22 = tpu.memref_squeeze %dma_wait3A_21 : memref<1x128x80xf32, #tpu.memory_space<hbm>> -> memref<128x80xf32, #tpu.memory_space<hbm>>
      %dma_wait3A_23 = arith.constant 0 : i32
      %dma_wait3A_24 = tpu.memref_slice %arg10[%mul3A_14, %dma_wait3A_23] : memref<2064x80xf32, #tpu.memory_space<vmem_shared>> -> memref<128x80xf32, #tpu.memory_space<vmem_shared>>
      tpu.wait_dma2 semaphore(%run_scoped3A : memref<!tpu.dma_semaphore, #tpu.memory_space<semaphore_mem>>) src(%dma_wait3A_24 : memref<128x80xf32, #tpu.memory_space<vmem_shared>>) dst(%dma_wait3A_22 : memref<128x80xf32, #tpu.memory_space<hbm>>)
      tpu.yield
    }) : () -> ()
    return
  }
}

#map = affine_map<(d0, d1) -> (0, 0)>
#map1 = affine_map<(d0, d1) -> (0)>
module attributes {stable_mosaic.version = 14 : i64} {
  func.func @k(%arg0: i32, %arg1: i32, %arg2: memref<2048x64xf32, #tpu.memory_space<hbm>>, %arg3: memref<16384xi32, #tpu.memory_space<hbm>>, %arg4: memref<16384xi32, #tpu.memory_space<hbm>>, %arg5: memref<16384x64xf32, #tpu.memory_space<hbm>>, %arg6: memref<16384x64xf32, #tpu.memory_space<hbm>>, %arg7: memref<128xi32, #tpu.memory_space<vmem>>, %arg8: memref<128x64xf32, #tpu.memory_space<vmem>>, %arg9: memref<!tpu.dma_semaphore, #tpu.memory_space<semaphore_mem>>) attributes {dimension_semantics = [#tpu.dimension_semantics<core_parallel>, #tpu.dimension_semantics<subcore_parallel>], iteration_bounds = array<i64: 2, 16>, scalar_prefetch = 0 : i64, scratch_operands = 3 : i64, tpu.core_type = #tpu.core_type<sc_vector_subcore>, window_params = [{transform_indices = #map}, {transform_indices = #map1}, {transform_indices = #map1}, {transform_indices = #map}, {transform_indices = #map}]} {
    %mul3A = arith.constant 16 : i32
    %mul3A_0 = arith.muli %arg0, %mul3A : i32
    %add3A = arith.addi %mul3A_0, %arg1 : i32
    %scan3A = arith.constant 0 : i32
    %scan3A_1 = arith.constant 0 : i32
    %scan3A_2 = arith.constant 4 : i32
    %scan3A_3 = arith.addi %scan3A_1, %scan3A_2 : i32
    %scan3A_4 = arith.constant 1 : i32
    scf.for %scan3A_6 = %scan3A_1 to %scan3A_3 step %scan3A_4  : i32 {
      %mul3A_7 = arith.constant 512 : i32
      %mul3A_8 = arith.muli %add3A, %mul3A_7 : i32
      %mul3A_9 = arith.constant 128 : i32
      %mul3A_10 = arith.muli %scan3A_6, %mul3A_9 : i32
      %add3A_11 = arith.addi %mul3A_8, %mul3A_10 : i32
      "tpu.region"() ({
        %run_scoped3A = tpu.sem_alloc : memref<!tpu.dma_semaphore, #tpu.memory_space<semaphore_mem>>
        %dma_start3A_22 = tpu.memref_slice %arg3[%add3A_11] : memref<16384xi32, #tpu.memory_space<hbm>> -> memref<128xi32, #tpu.memory_space<hbm>>
        %dma_start3A_23 = tpu.memref_slice %arg3[%add3A_11] : memref<16384xi32, #tpu.memory_space<hbm>> -> memref<128xi32, #tpu.memory_space<hbm>>
        tpu.enqueue_dma source(%dma_start3A_23 : memref<128xi32, #tpu.memory_space<hbm>>) target(%arg7 : memref<128xi32, #tpu.memory_space<vmem>>) target_semaphore(%run_scoped3A : memref<!tpu.dma_semaphore, #tpu.memory_space<semaphore_mem>>)
        %dma_wait3A_24 = tpu.memref_slice %arg3[%add3A_11] : memref<16384xi32, #tpu.memory_space<hbm>> -> memref<128xi32, #tpu.memory_space<hbm>>
        %dma_wait3A_25 = tpu.memref_slice %arg3[%add3A_11] : memref<16384xi32, #tpu.memory_space<hbm>> -> memref<128xi32, #tpu.memory_space<hbm>>
        tpu.wait_dma2 semaphore(%run_scoped3A : memref<!tpu.dma_semaphore, #tpu.memory_space<semaphore_mem>>) src(%dma_wait3A_25 : memref<128xi32, #tpu.memory_space<hbm>>) dst(%arg7 : memref<128xi32, #tpu.memory_space<vmem>>)
        tpu.yield
      }) : () -> ()
      %dma_start3A = arith.constant 0 : i32
      %dma_start3A_12 = arith.constant 0 : i32
      %dma_start3A_13 = tpu.memref_slice %arg2[%dma_start3A, %dma_start3A_12] : memref<2048x64xf32, #tpu.memory_space<hbm>> -> memref<2048x64xf32, #tpu.memory_space<hbm>>
      tpu.enqueue_indirect_dma source(%dma_start3A_13 : memref<2048x64xf32, #tpu.memory_space<hbm>>) target(%arg8 : memref<128x64xf32, #tpu.memory_space<vmem>>) offsets(%arg7 : memref<128xi32, #tpu.memory_space<vmem>>) semaphore(%arg9 : memref<!tpu.dma_semaphore, #tpu.memory_space<semaphore_mem>>)
      %dma_wait3A = arith.constant 0 : i32
      %dma_wait3A_14 = arith.constant 0 : i32
      %dma_wait3A_15 = tpu.memref_slice %arg2[%dma_wait3A, %dma_wait3A_14] : memref<2048x64xf32, #tpu.memory_space<hbm>> -> memref<2048x64xf32, #tpu.memory_space<hbm>>
      tpu.wait_indirect_dma semaphore(%arg9 : memref<!tpu.dma_semaphore, #tpu.memory_space<semaphore_mem>>) src(%dma_wait3A_15 : memref<2048x64xf32, #tpu.memory_space<hbm>>) dst(%arg8 : memref<128x64xf32, #tpu.memory_space<vmem>>)
      "tpu.region"() ({
        %run_scoped3A = tpu.sem_alloc : memref<!tpu.dma_semaphore, #tpu.memory_space<semaphore_mem>>
        %dma_start3A_22 = arith.constant 0 : i32
        %dma_start3A_23 = tpu.memref_slice %arg5[%add3A_11, %dma_start3A_22] : memref<16384x64xf32, #tpu.memory_space<hbm>> -> memref<128x64xf32, #tpu.memory_space<hbm>>
        %dma_start3A_24 = arith.constant 0 : i32
        %dma_start3A_25 = tpu.memref_slice %arg5[%add3A_11, %dma_start3A_24] : memref<16384x64xf32, #tpu.memory_space<hbm>> -> memref<128x64xf32, #tpu.memory_space<hbm>>
        tpu.enqueue_dma source(%arg8 : memref<128x64xf32, #tpu.memory_space<vmem>>) target(%dma_start3A_25 : memref<128x64xf32, #tpu.memory_space<hbm>>) target_semaphore(%run_scoped3A : memref<!tpu.dma_semaphore, #tpu.memory_space<semaphore_mem>>)
        %dma_wait3A_26 = arith.constant 0 : i32
        %dma_wait3A_27 = tpu.memref_slice %arg5[%add3A_11, %dma_wait3A_26] : memref<16384x64xf32, #tpu.memory_space<hbm>> -> memref<128x64xf32, #tpu.memory_space<hbm>>
        %dma_wait3A_28 = arith.constant 0 : i32
        %dma_wait3A_29 = tpu.memref_slice %arg5[%add3A_11, %dma_wait3A_28] : memref<16384x64xf32, #tpu.memory_space<hbm>> -> memref<128x64xf32, #tpu.memory_space<hbm>>
        tpu.wait_dma2 semaphore(%run_scoped3A : memref<!tpu.dma_semaphore, #tpu.memory_space<semaphore_mem>>) src(%arg8 : memref<128x64xf32, #tpu.memory_space<vmem>>) dst(%dma_wait3A_29 : memref<128x64xf32, #tpu.memory_space<hbm>>)
        tpu.yield
      }) : () -> ()
      "tpu.region"() ({
        %run_scoped3A = tpu.sem_alloc : memref<!tpu.dma_semaphore, #tpu.memory_space<semaphore_mem>>
        %dma_start3A_22 = tpu.memref_slice %arg4[%add3A_11] : memref<16384xi32, #tpu.memory_space<hbm>> -> memref<128xi32, #tpu.memory_space<hbm>>
        %dma_start3A_23 = tpu.memref_slice %arg4[%add3A_11] : memref<16384xi32, #tpu.memory_space<hbm>> -> memref<128xi32, #tpu.memory_space<hbm>>
        tpu.enqueue_dma source(%dma_start3A_23 : memref<128xi32, #tpu.memory_space<hbm>>) target(%arg7 : memref<128xi32, #tpu.memory_space<vmem>>) target_semaphore(%run_scoped3A : memref<!tpu.dma_semaphore, #tpu.memory_space<semaphore_mem>>)
        %dma_wait3A_24 = tpu.memref_slice %arg4[%add3A_11] : memref<16384xi32, #tpu.memory_space<hbm>> -> memref<128xi32, #tpu.memory_space<hbm>>
        %dma_wait3A_25 = tpu.memref_slice %arg4[%add3A_11] : memref<16384xi32, #tpu.memory_space<hbm>> -> memref<128xi32, #tpu.memory_space<hbm>>
        tpu.wait_dma2 semaphore(%run_scoped3A : memref<!tpu.dma_semaphore, #tpu.memory_space<semaphore_mem>>) src(%dma_wait3A_25 : memref<128xi32, #tpu.memory_space<hbm>>) dst(%arg7 : memref<128xi32, #tpu.memory_space<vmem>>)
        tpu.yield
      }) : () -> ()
      %dma_start3A_16 = arith.constant 0 : i32
      %dma_start3A_17 = arith.constant 0 : i32
      %dma_start3A_18 = tpu.memref_slice %arg2[%dma_start3A_16, %dma_start3A_17] : memref<2048x64xf32, #tpu.memory_space<hbm>> -> memref<2048x64xf32, #tpu.memory_space<hbm>>
      tpu.enqueue_indirect_dma source(%dma_start3A_18 : memref<2048x64xf32, #tpu.memory_space<hbm>>) target(%arg8 : memref<128x64xf32, #tpu.memory_space<vmem>>) offsets(%arg7 : memref<128xi32, #tpu.memory_space<vmem>>) semaphore(%arg9 : memref<!tpu.dma_semaphore, #tpu.memory_space<semaphore_mem>>)
      %dma_wait3A_19 = arith.constant 0 : i32
      %dma_wait3A_20 = arith.constant 0 : i32
      %dma_wait3A_21 = tpu.memref_slice %arg2[%dma_wait3A_19, %dma_wait3A_20] : memref<2048x64xf32, #tpu.memory_space<hbm>> -> memref<2048x64xf32, #tpu.memory_space<hbm>>
      tpu.wait_indirect_dma semaphore(%arg9 : memref<!tpu.dma_semaphore, #tpu.memory_space<semaphore_mem>>) src(%dma_wait3A_21 : memref<2048x64xf32, #tpu.memory_space<hbm>>) dst(%arg8 : memref<128x64xf32, #tpu.memory_space<vmem>>)
      "tpu.region"() ({
        %run_scoped3A = tpu.sem_alloc : memref<!tpu.dma_semaphore, #tpu.memory_space<semaphore_mem>>
        %dma_start3A_22 = arith.constant 0 : i32
        %dma_start3A_23 = tpu.memref_slice %arg6[%add3A_11, %dma_start3A_22] : memref<16384x64xf32, #tpu.memory_space<hbm>> -> memref<128x64xf32, #tpu.memory_space<hbm>>
        %dma_start3A_24 = arith.constant 0 : i32
        %dma_start3A_25 = tpu.memref_slice %arg6[%add3A_11, %dma_start3A_24] : memref<16384x64xf32, #tpu.memory_space<hbm>> -> memref<128x64xf32, #tpu.memory_space<hbm>>
        tpu.enqueue_dma source(%arg8 : memref<128x64xf32, #tpu.memory_space<vmem>>) target(%dma_start3A_25 : memref<128x64xf32, #tpu.memory_space<hbm>>) target_semaphore(%run_scoped3A : memref<!tpu.dma_semaphore, #tpu.memory_space<semaphore_mem>>)
        %dma_wait3A_26 = arith.constant 0 : i32
        %dma_wait3A_27 = tpu.memref_slice %arg6[%add3A_11, %dma_wait3A_26] : memref<16384x64xf32, #tpu.memory_space<hbm>> -> memref<128x64xf32, #tpu.memory_space<hbm>>
        %dma_wait3A_28 = arith.constant 0 : i32
        %dma_wait3A_29 = tpu.memref_slice %arg6[%add3A_11, %dma_wait3A_28] : memref<16384x64xf32, #tpu.memory_space<hbm>> -> memref<128x64xf32, #tpu.memory_space<hbm>>
        tpu.wait_dma2 semaphore(%run_scoped3A : memref<!tpu.dma_semaphore, #tpu.memory_space<semaphore_mem>>) src(%arg8 : memref<128x64xf32, #tpu.memory_space<vmem>>) dst(%dma_wait3A_29 : memref<128x64xf32, #tpu.memory_space<hbm>>)
        tpu.yield
      }) : () -> ()
    }
    %scan3A_5 = arith.constant 4 : i32
    return
  }
}

module attributes {stable_mosaic.version = 14 : i64} {
  func.func @_h_body(%arg0: i32, %arg1: memref<1024x75xf32, #tpu.memory_space<vmem>>, %arg2: memref<75x64xf32, #tpu.memory_space<vmem>>, %arg3: memref<1x64xf32, #tpu.memory_space<vmem>>, %arg4: memref<1024x64xf32, #tpu.memory_space<vmem>>) attributes {dimension_semantics = [#tpu.dimension_semantics<arbitrary>], iteration_bounds = array<i64: 49>, scalar_prefetch = 0 : i64, scratch_operands = 0 : i64, tpu.core_type = #tpu.core_type<tc>, window_params = [{transform_indices = @transform_0, window_bounds = array<i64: 1024, 75>}, {pipeline_mode = #tpu.pipeline_mode<synchronous>, transform_indices = @transform_1, window_bounds = array<i64: 75, 64>}, {pipeline_mode = #tpu.pipeline_mode<synchronous>, transform_indices = @transform_2, window_bounds = array<i64: 1, 64>}, {transform_indices = @transform_3, window_bounds = array<i64: 1024, 64>}]} {
    %get3A = arith.constant 0 : index
    %get3A_0 = arith.constant 0 : index
    %get3A_1 = vector.load %arg1[%get3A, %get3A_0] : memref<1024x75xf32, #tpu.memory_space<vmem>>, vector<1024x75xf32>
    %get3A_2 = arith.constant 0 : index
    %get3A_3 = arith.constant 0 : index
    %get3A_4 = vector.load %arg2[%get3A_2, %get3A_3] : memref<75x64xf32, #tpu.memory_space<vmem>>, vector<75x64xf32>
    %dot_general3A = arith.constant dense<0.000000e+00> : vector<1024x64xf32>
    %dot_general3A_5 = tpu.matmul %get3A_1, %get3A_4, %dot_general3A {dimension_numbers = #tpu.dot_dimension_numbers<[1], [0], [0], [1], [0, 0, 1, 1], [], []>, precision = #tpu.contract_precision<fp32>, transpose_lhs_hint = false} : vector<1024x75xf32>, vector<75x64xf32>, vector<1024x64xf32> -> vector<1024x64xf32>
    %get3A_6 = arith.constant 0 : index
    %get3A_7 = arith.constant 0 : index
    %get3A_8 = vector.load %arg3[%get3A_6, %get3A_7] : memref<1x64xf32, #tpu.memory_space<vmem>>, vector<1x64xf32>
    %add3A = vector.broadcast %get3A_8 : vector<1x64xf32> to vector<1024x64xf32>
    %add3A_9 = arith.addf %dot_general3A_5, %add3A : vector<1024x64xf32>
    %swap3A = arith.constant 0 : index
    %swap3A_10 = arith.constant 0 : index
    %swap3A_11 = vector.load %arg4[%swap3A, %swap3A_10] : memref<1024x64xf32, #tpu.memory_space<vmem>>, vector<1024x64xf32>
    tpu.vector_store %arg4[%swap3A, %swap3A_10], %add3A_9 {strides = array<i32>} : memref<1024x64xf32, #tpu.memory_space<vmem>>, vector<1024x64xf32>,
    return
  }
  func.func @transform_0(%arg0: i32) -> (i32, i32) {
    %c0_i32 = arith.constant 0 : i32
    %c0_i32_0 = arith.constant 0 : i32
    return %arg0, %c0_i32 : i32, i32
  }
  func.func @transform_1(%arg0: i32) -> (i32, i32) {
    %c0_i32 = arith.constant 0 : i32
    %c0_i32_0 = arith.constant 0 : i32
    %c0_i32_1 = arith.constant 0 : i32
    return %c0_i32, %c0_i32_0 : i32, i32
  }
  func.func @transform_2(%arg0: i32) -> (i32, i32) {
    %c0_i32 = arith.constant 0 : i32
    %c0_i32_0 = arith.constant 0 : i32
    %c0_i32_1 = arith.constant 0 : i32
    return %c0_i32, %c0_i32_0 : i32, i32
  }
  func.func @transform_3(%arg0: i32) -> (i32, i32) {
    %c0_i32 = arith.constant 0 : i32
    %c0_i32_0 = arith.constant 0 : i32
    return %arg0, %c0_i32 : i32, i32
  }
}

module attributes {stable_mosaic.version = 14 : i64} {
  func.func @_h2_body(%arg0: i32, %arg1: memref<1024x64xf32, #tpu.memory_space<vmem>>, %arg2: memref<1024x64xf32, #tpu.memory_space<vmem>>, %arg3: memref<64x64xf32, #tpu.memory_space<vmem>>, %arg4: memref<1x64xf32, #tpu.memory_space<vmem>>, %arg5: memref<64x64xf32, #tpu.memory_space<vmem>>, %arg6: memref<1024x80xf32, #tpu.memory_space<vmem>>) attributes {dimension_semantics = [#tpu.dimension_semantics<arbitrary>], iteration_bounds = array<i64: 49>, scalar_prefetch = 0 : i64, scratch_operands = 0 : i64, tpu.core_type = #tpu.core_type<tc>, window_params = [{transform_indices = @transform_0, window_bounds = array<i64: 1024, 64>}, {transform_indices = @transform_1, window_bounds = array<i64: 1024, 64>}, {pipeline_mode = #tpu.pipeline_mode<synchronous>, transform_indices = @transform_2, window_bounds = array<i64: 64, 64>}, {pipeline_mode = #tpu.pipeline_mode<synchronous>, transform_indices = @transform_3, window_bounds = array<i64: 1, 64>}, {pipeline_mode = #tpu.pipeline_mode<synchronous>, transform_indices = @transform_4, window_bounds = array<i64: 64, 64>}, {transform_indices = @transform_5, window_bounds = array<i64: 1024, 80>}]} {
    %get3A = arith.constant 0 : index
    %get3A_0 = arith.constant 0 : index
    %get3A_1 = vector.load %arg1[%get3A, %get3A_0] : memref<1024x64xf32, #tpu.memory_space<vmem>>, vector<1024x64xf32>
    %get3A_2 = arith.constant 0 : index
    %get3A_3 = arith.constant 0 : index
    %get3A_4 = vector.load %arg3[%get3A_2, %get3A_3] : memref<64x64xf32, #tpu.memory_space<vmem>>, vector<64x64xf32>
    %dot_general3A = arith.constant dense<0.000000e+00> : vector<1024x64xf32>
    %dot_general3A_5 = tpu.matmul %get3A_1, %get3A_4, %dot_general3A {dimension_numbers = #tpu.dot_dimension_numbers<[1], [0], [0], [1], [0, 0, 1, 1], [], []>, precision = #tpu.contract_precision<fp32>, transpose_lhs_hint = false} : vector<1024x64xf32>, vector<64x64xf32>, vector<1024x64xf32> -> vector<1024x64xf32>
    %get3A_6 = arith.constant 0 : index
    %get3A_7 = arith.constant 0 : index
    %get3A_8 = vector.load %arg4[%get3A_6, %get3A_7] : memref<1x64xf32, #tpu.memory_space<vmem>>, vector<1x64xf32>
    %add3A = vector.broadcast %get3A_8 : vector<1x64xf32> to vector<1024x64xf32>
    %add3A_9 = arith.addf %dot_general3A_5, %add3A : vector<1024x64xf32>
    %get3A_10 = arith.constant 0 : index
    %get3A_11 = arith.constant 0 : index
    %get3A_12 = vector.load %arg2[%get3A_10, %get3A_11] : memref<1024x64xf32, #tpu.memory_space<vmem>>, vector<1024x64xf32>
    %get3A_13 = arith.constant 0 : index
    %get3A_14 = arith.constant 0 : index
    %get3A_15 = vector.load %arg5[%get3A_13, %get3A_14] : memref<64x64xf32, #tpu.memory_space<vmem>>, vector<64x64xf32>
    %dot_general3A_16 = arith.constant dense<0.000000e+00> : vector<1024x64xf32>
    %dot_general3A_17 = tpu.matmul %get3A_12, %get3A_15, %dot_general3A_16 {dimension_numbers = #tpu.dot_dimension_numbers<[1], [0], [0], [1], [0, 0, 1, 1], [], []>, precision = #tpu.contract_precision<fp32>, transpose_lhs_hint = false} : vector<1024x64xf32>, vector<64x64xf32>, vector<1024x64xf32> -> vector<1024x64xf32>
    %add3A_18 = arith.addf %add3A_9, %dot_general3A_17 : vector<1024x64xf32>
    %iota3A = tpu.iota {dimensions = array<i32: 1>} : vector<1024x16xi32>
    %eq3A = arith.constant 0 : i32
    %eq3A_19 = vector.broadcast %eq3A : i32 to vector<1024x16xi32>
    %eq3A_20 = arith.cmpi eq, %iota3A, %eq3A_19 : vector<1024x16xi32>
    %convert_element_type3A = arith.extui %eq3A_20 : vector<1024x16xi1> to vector<1024x16xi32>
    %convert_element_type3A_21 = arith.sitofp %convert_element_type3A : vector<1024x16xi32> to vector<1024x16xf32>
    %concatenate3A = tpu.concatenate %add3A_18, %convert_element_type3A_21 in 1 : vector<1024x64xf32>, vector<1024x16xf32> -> vector<1024x80xf32>
    %swap3A = arith.constant 0 : index
    %swap3A_22 = arith.constant 0 : index
    %swap3A_23 = vector.load %arg6[%swap3A, %swap3A_22] : memref<1024x80xf32, #tpu.memory_space<vmem>>, vector<1024x80xf32>
    tpu.vector_store %arg6[%swap3A, %swap3A_22], %concatenate3A {strides = array<i32>} : memref<1024x80xf32, #tpu.memory_space<vmem>>, vector<1024x80xf32>,
    return
  }
  func.func @transform_0(%arg0: i32) -> (i32, i32) {
    %c0_i32 = arith.constant 0 : i32
    %c0_i32_0 = arith.constant 0 : i32
    return %arg0, %c0_i32 : i32, i32
  }
  func.func @transform_1(%arg0: i32) -> (i32, i32) {
    %c0_i32 = arith.constant 0 : i32
    %c0_i32_0 = arith.constant 0 : i32
    return %arg0, %c0_i32 : i32, i32
  }
  func.func @transform_2(%arg0: i32) -> (i32, i32) {
    %c0_i32 = arith.constant 0 : i32
    %c0_i32_0 = arith.constant 0 : i32
    %c0_i32_1 = arith.constant 0 : i32
    return %c0_i32, %c0_i32_0 : i32, i32
  }
  func.func @transform_3(%arg0: i32) -> (i32, i32) {
    %c0_i32 = arith.constant 0 : i32
    %c0_i32_0 = arith.constant 0 : i32
    %c0_i32_1 = arith.constant 0 : i32
    return %c0_i32, %c0_i32_0 : i32, i32
  }
  func.func @transform_4(%arg0: i32) -> (i32, i32) {
    %c0_i32 = arith.constant 0 : i32
    %c0_i32_0 = arith.constant 0 : i32
    %c0_i32_1 = arith.constant 0 : i32
    return %c0_i32, %c0_i32_0 : i32, i32
  }
  func.func @transform_5(%arg0: i32) -> (i32, i32) {
    %c0_i32 = arith.constant 0 : i32
    %c0_i32_0 = arith.constant 0 : i32
    return %arg0, %c0_i32 : i32, i32
  }
}

module attributes {stable_mosaic.version = 14 : i64} {
  func.func @_g_body(%arg0: memref<2048x80xf32, #tpu.memory_space<vmem>>, %arg1: memref<2048x80xf32, #tpu.memory_space<vmem>>, %arg2: memref<2048x64xf32, #tpu.memory_space<vmem>>) attributes {dimension_semantics = [], scalar_prefetch = 0 : i64, scratch_operands = 0 : i64, tpu.core_type = #tpu.core_type<tc>} {
    %get3A = arith.constant 0 : index
    %get3A_0 = arith.constant 0 : index
    %get3A_1 = vector.load %arg0[%get3A, %get3A_0] : memref<2048x80xf32, #tpu.memory_space<vmem>>, vector<2048x80xf32>
    %get3A_2 = arith.constant 0 : index
    %get3A_3 = arith.constant 0 : index
    %get3A_4 = vector.load %arg1[%get3A_2, %get3A_3] : memref<2048x80xf32, #tpu.memory_space<vmem>>, vector<2048x80xf32>
    %add3A = arith.addf %get3A_1, %get3A_4 : vector<2048x80xf32>
    %slice3A = vector.extract_strided_slice %add3A {offsets = [0, 0], sizes = [2048, 64], strides = [1, 1]} : vector<2048x80xf32> to vector<2048x64xf32>
    %slice3A_5 = vector.extract_strided_slice %add3A {offsets = [0, 64], sizes = [2048, 1], strides = [1, 1]} : vector<2048x80xf32> to vector<2048x1xf32>
    %max3A = arith.constant 1.000000e+00 : f32
    %max3A_6 = vector.broadcast %max3A : f32 to vector<2048x1xf32>
    %max3A_7 = arith.maximumf %slice3A_5, %max3A_6 : vector<2048x1xf32>
    %div3A = vector.broadcast %max3A_7 : vector<2048x1xf32> to vector<2048x64xf32>
    %div3A_8 = arith.divf %slice3A, %div3A : vector<2048x64xf32>
    %swap3A = arith.constant 0 : index
    %swap3A_9 = arith.constant 0 : index
    %swap3A_10 = vector.load %arg2[%swap3A, %swap3A_9] : memref<2048x64xf32, #tpu.memory_space<vmem>>, vector<2048x64xf32>
    tpu.vector_store %arg2[%swap3A, %swap3A_9], %div3A_8 {strides = array<i32>} : memref<2048x64xf32, #tpu.memory_space<vmem>>, vector<2048x64xf32>,
    return
  }
}

module attributes {stable_mosaic.version = 14 : i64} {
  func.func @_decoder_body(%arg0: i32, %arg1: memref<512x64xf32, #tpu.memory_space<vmem>>, %arg2: memref<512x64xf32, #tpu.memory_space<vmem>>, %arg3: memref<64x256xf32, #tpu.memory_space<vmem>>, %arg4: memref<64x256xf32, #tpu.memory_space<vmem>>, %arg5: memref<64x256xf32, #tpu.memory_space<vmem>>, %arg6: memref<64x256xf32, #tpu.memory_space<vmem>>, %arg7: memref<1x256xf32, #tpu.memory_space<vmem>>, %arg8: memref<256x64xf32, #tpu.memory_space<vmem>>, %arg9: memref<1x64xf32, #tpu.memory_space<vmem>>, %arg10: memref<64x1xf32, #tpu.memory_space<vmem>>, %arg11: memref<1x1xf32, #tpu.memory_space<vmem>>, %arg12: memref<512x1xf32, #tpu.memory_space<vmem>>) attributes {dimension_semantics = [#tpu.dimension_semantics<arbitrary>], iteration_bounds = array<i64: 32>, scalar_prefetch = 0 : i64, scratch_operands = 0 : i64, tpu.core_type = #tpu.core_type<tc>, window_params = [{transform_indices = @transform_0, window_bounds = array<i64: 512, 64>}, {transform_indices = @transform_1, window_bounds = array<i64: 512, 64>}, {pipeline_mode = #tpu.pipeline_mode<synchronous>, transform_indices = @transform_2, window_bounds = array<i64: 64, 256>}, {pipeline_mode = #tpu.pipeline_mode<synchronous>, transform_indices = @transform_3, window_bounds = array<i64: 64, 256>}, {pipeline_mode = #tpu.pipeline_mode<synchronous>, transform_indices = @transform_4, window_bounds = array<i64: 64, 256>}, {pipeline_mode = #tpu.pipeline_mode<synchronous>, transform_indices = @transform_5, window_bounds = array<i64: 64, 256>}, {pipeline_mode = #tpu.pipeline_mode<synchronous>, transform_indices = @transform_6, window_bounds = array<i64: 1, 256>}, {pipeline_mode = #tpu.pipeline_mode<synchronous>, transform_indices = @transform_7, window_bounds = array<i64: 256, 64>}, {pipeline_mode = #tpu.pipeline_mode<synchronous>, transform_indices = @transform_8, window_bounds = array<i64: 1, 64>}, {pipeline_mode = #tpu.pipeline_mode<synchronous>, transform_indices = @transform_9, window_bounds = array<i64: 64, 1>}, {pipeline_mode = #tpu.pipeline_mode<synchronous>, transform_indices = @transform_10, window_bounds = array<i64: 1, 1>}, {transform_indices = @transform_11, window_bounds = array<i64: 512, 1>}]} {
    %get3A = arith.constant 0 : index
    %get3A_0 = arith.constant 0 : index
    %get3A_1 = vector.load %arg1[%get3A, %get3A_0] : memref<512x64xf32, #tpu.memory_space<vmem>>, vector<512x64xf32>
    %get3A_2 = arith.constant 0 : index
    %get3A_3 = arith.constant 0 : index
    %get3A_4 = vector.load %arg2[%get3A_2, %get3A_3] : memref<512x64xf32, #tpu.memory_space<vmem>>, vector<512x64xf32>
    %get3A_5 = arith.constant 0 : index
    %get3A_6 = arith.constant 0 : index
    %get3A_7 = vector.load %arg3[%get3A_5, %get3A_6] : memref<64x256xf32, #tpu.memory_space<vmem>>, vector<64x256xf32>
    %dot_general3A = arith.constant dense<0.000000e+00> : vector<512x256xf32>
    %dot_general3A_8 = tpu.matmul %get3A_1, %get3A_7, %dot_general3A {dimension_numbers = #tpu.dot_dimension_numbers<[1], [0], [0], [1], [0, 0, 1, 1], [], []>, precision = #tpu.contract_precision<fp32>, transpose_lhs_hint = false} : vector<512x64xf32>, vector<64x256xf32>, vector<512x256xf32> -> vector<512x256xf32>
    %get3A_9 = arith.constant 0 : index
    %get3A_10 = arith.constant 0 : index
    %get3A_11 = vector.load %arg4[%get3A_9, %get3A_10] : memref<64x256xf32, #tpu.memory_space<vmem>>, vector<64x256xf32>
    %dot_general3A_12 = arith.constant dense<0.000000e+00> : vector<512x256xf32>
    %dot_general3A_13 = tpu.matmul %get3A_4, %get3A_11, %dot_general3A_12 {dimension_numbers = #tpu.dot_dimension_numbers<[1], [0], [0], [1], [0, 0, 1, 1], [], []>, precision = #tpu.contract_precision<fp32>, transpose_lhs_hint = false} : vector<512x64xf32>, vector<64x256xf32>, vector<512x256xf32> -> vector<512x256xf32>
    %add3A = arith.addf %dot_general3A_8, %dot_general3A_13 : vector<512x256xf32>
    %get3A_14 = arith.constant 0 : index
    %get3A_15 = arith.constant 0 : index
    %get3A_16 = vector.load %arg5[%get3A_14, %get3A_15] : memref<64x256xf32, #tpu.memory_space<vmem>>, vector<64x256xf32>
    %dot_general3A_17 = arith.constant dense<0.000000e+00> : vector<512x256xf32>
    %dot_general3A_18 = tpu.matmul %get3A_1, %get3A_16, %dot_general3A_17 {dimension_numbers = #tpu.dot_dimension_numbers<[1], [0], [0], [1], [0, 0, 1, 1], [], []>, precision = #tpu.contract_precision<fp32>, transpose_lhs_hint = false} : vector<512x64xf32>, vector<64x256xf32>, vector<512x256xf32> -> vector<512x256xf32>
    %get3A_19 = arith.constant 0 : index
    %get3A_20 = arith.constant 0 : index
    %get3A_21 = vector.load %arg6[%get3A_19, %get3A_20] : memref<64x256xf32, #tpu.memory_space<vmem>>, vector<64x256xf32>
    %dot_general3A_22 = arith.constant dense<0.000000e+00> : vector<512x256xf32>
    %dot_general3A_23 = tpu.matmul %get3A_4, %get3A_21, %dot_general3A_22 {dimension_numbers = #tpu.dot_dimension_numbers<[1], [0], [0], [1], [0, 0, 1, 1], [], []>, precision = #tpu.contract_precision<fp32>, transpose_lhs_hint = false} : vector<512x64xf32>, vector<64x256xf32>, vector<512x256xf32> -> vector<512x256xf32>
    %add3A_24 = arith.addf %dot_general3A_18, %dot_general3A_23 : vector<512x256xf32>
    %max3A = arith.maximumf %add3A, %add3A_24 : vector<512x256xf32>
    %get3A_25 = arith.constant 0 : index
    %get3A_26 = arith.constant 0 : index
    %get3A_27 = vector.load %arg7[%get3A_25, %get3A_26] : memref<1x256xf32, #tpu.memory_space<vmem>>, vector<1x256xf32>
    %add3A_28 = vector.broadcast %get3A_27 : vector<1x256xf32> to vector<512x256xf32>
    %add3A_29 = arith.addf %max3A, %add3A_28 : vector<512x256xf32>
    %get3A_30 = arith.constant 0 : index
    %get3A_31 = arith.constant 0 : index
    %get3A_32 = vector.load %arg8[%get3A_30, %get3A_31] : memref<256x64xf32, #tpu.memory_space<vmem>>, vector<256x64xf32>
    %dot_general3A_33 = arith.constant dense<0.000000e+00> : vector<512x64xf32>
    %dot_general3A_34 = tpu.matmul %add3A_29, %get3A_32, %dot_general3A_33 {dimension_numbers = #tpu.dot_dimension_numbers<[1], [0], [0], [1], [0, 0, 1, 1], [], []>, precision = #tpu.contract_precision<fp32>, transpose_lhs_hint = false} : vector<512x256xf32>, vector<256x64xf32>, vector<512x64xf32> -> vector<512x64xf32>
    %get3A_35 = arith.constant 0 : index
    %get3A_36 = arith.constant 0 : index
    %get3A_37 = vector.load %arg9[%get3A_35, %get3A_36] : memref<1x64xf32, #tpu.memory_space<vmem>>, vector<1x64xf32>
    %add3A_38 = vector.broadcast %get3A_37 : vector<1x64xf32> to vector<512x64xf32>
    %add3A_39 = arith.addf %dot_general3A_34, %add3A_38 : vector<512x64xf32>
    %max3A_40 = arith.constant 0.000000e+00 : f32
    %max3A_41 = vector.broadcast %max3A_40 : f32 to vector<512x64xf32>
    %max3A_42 = arith.maximumf %add3A_39, %max3A_41 : vector<512x64xf32>
    %get3A_43 = arith.constant 0 : index
    %get3A_44 = arith.constant 0 : index
    %get3A_45 = vector.load %arg10[%get3A_43, %get3A_44] : memref<64x1xf32, #tpu.memory_space<vmem>>, vector<64x1xf32>
    %dot_general3A_46 = arith.constant dense<0.000000e+00> : vector<512x1xf32>
    %dot_general3A_47 = tpu.matmul %max3A_42, %get3A_45, %dot_general3A_46 {dimension_numbers = #tpu.dot_dimension_numbers<[1], [0], [0], [1], [0, 0, 1, 1], [], []>, precision = #tpu.contract_precision<fp32>, transpose_lhs_hint = false} : vector<512x64xf32>, vector<64x1xf32>, vector<512x1xf32> -> vector<512x1xf32>
    %get3A_48 = arith.constant 0 : index
    %get3A_49 = arith.constant 0 : index
    %get3A_50 = vector.load %arg11[%get3A_48, %get3A_49] : memref<1x1xf32, #tpu.memory_space<vmem>>, vector<1x1xf32>
    %add3A_51 = vector.broadcast %get3A_50 : vector<1x1xf32> to vector<512x1xf32>
    %add3A_52 = arith.addf %dot_general3A_47, %add3A_51 : vector<512x1xf32>
    %logistic3A = arith.negf %add3A_52 : vector<512x1xf32>
    %logistic3A_53 = math.exp %logistic3A : vector<512x1xf32>
    %logistic3A_54 = arith.constant 1.000000e+00 : f32
    %logistic3A_55 = vector.broadcast %logistic3A_54 : f32 to vector<512x1xf32>
    %logistic3A_56 = arith.addf %logistic3A_55, %logistic3A_53 : vector<512x1xf32>
    %logistic3A_57 = arith.divf %logistic3A_55, %logistic3A_56 : vector<512x1xf32>
    %swap3A = arith.constant 0 : index
    %swap3A_58 = arith.constant 0 : index
    %swap3A_59 = vector.load %arg12[%swap3A, %swap3A_58] : memref<512x1xf32, #tpu.memory_space<vmem>>, vector<512x1xf32>
    tpu.vector_store %arg12[%swap3A, %swap3A_58], %logistic3A_57 {strides = array<i32>} : memref<512x1xf32, #tpu.memory_space<vmem>>, vector<512x1xf32>,
    return
  }
  func.func @transform_0(%arg0: i32) -> (i32, i32) {
    %c0_i32 = arith.constant 0 : i32
    %c0_i32_0 = arith.constant 0 : i32
    return %arg0, %c0_i32 : i32, i32
  }
  func.func @transform_1(%arg0: i32) -> (i32, i32) {
    %c0_i32 = arith.constant 0 : i32
    %c0_i32_0 = arith.constant 0 : i32
    return %arg0, %c0_i32 : i32, i32
  }
  func.func @transform_2(%arg0: i32) -> (i32, i32) {
    %c0_i32 = arith.constant 0 : i32
    %c0_i32_0 = arith.constant 0 : i32
    %c0_i32_1 = arith.constant 0 : i32
    return %c0_i32, %c0_i32_0 : i32, i32
  }
  func.func @transform_3(%arg0: i32) -> (i32, i32) {
    %c0_i32 = arith.constant 0 : i32
    %c0_i32_0 = arith.constant 0 : i32
    %c0_i32_1 = arith.constant 0 : i32
    return %c0_i32, %c0_i32_0 : i32, i32
  }
  func.func @transform_4(%arg0: i32) -> (i32, i32) {
    %c0_i32 = arith.constant 0 : i32
    %c0_i32_0 = arith.constant 0 : i32
    %c0_i32_1 = arith.constant 0 : i32
    return %c0_i32, %c0_i32_0 : i32, i32
  }
  func.func @transform_5(%arg0: i32) -> (i32, i32) {
    %c0_i32 = arith.constant 0 : i32
    %c0_i32_0 = arith.constant 0 : i32
    %c0_i32_1 = arith.constant 0 : i32
    return %c0_i32, %c0_i32_0 : i32, i32
  }
  func.func @transform_6(%arg0: i32) -> (i32, i32) {
    %c0_i32 = arith.constant 0 : i32
    %c0_i32_0 = arith.constant 0 : i32
    %c0_i32_1 = arith.constant 0 : i32
    return %c0_i32, %c0_i32_0 : i32, i32
  }
  func.func @transform_7(%arg0: i32) -> (i32, i32) {
    %c0_i32 = arith.constant 0 : i32
    %c0_i32_0 = arith.constant 0 : i32
    %c0_i32_1 = arith.constant 0 : i32
    return %c0_i32, %c0_i32_0 : i32, i32
  }
  func.func @transform_8(%arg0: i32) -> (i32, i32) {
    %c0_i32 = arith.constant 0 : i32
    %c0_i32_0 = arith.constant 0 : i32
    %c0_i32_1 = arith.constant 0 : i32
    return %c0_i32, %c0_i32_0 : i32, i32
  }
  func.func @transform_9(%arg0: i32) -> (i32, i32) {
    %c0_i32 = arith.constant 0 : i32
    %c0_i32_0 = arith.constant 0 : i32
    %c0_i32_1 = arith.constant 0 : i32
    return %c0_i32, %c0_i32_0 : i32, i32
  }
  func.func @transform_10(%arg0: i32) -> (i32, i32) {
    %c0_i32 = arith.constant 0 : i32
    %c0_i32_0 = arith.constant 0 : i32
    %c0_i32_1 = arith.constant 0 : i32
    return %c0_i32, %c0_i32_0 : i32, i32
  }
  func.func @transform_11(%arg0: i32) -> (i32, i32) {
    %c0_i32 = arith.constant 0 : i32
    %c0_i32_0 = arith.constant 0 : i32
    return %arg0, %c0_i32 : i32, i32
  }
}

</mosaic_0001>

<sc_bundles>
// kernel: kernel.12.cloned.1.call-start
scs
__scs_entry_jumppad:
0x0: {  	(pc) =	sbr.rel $0x88, $3  }
0x1: {  	(tag) =	ssettag $0x0;
	lr =	simm.s32 $0x1  }
0x2: {  	[smem:$0x3F92] =	sst lr;
	_ =	strace $0xD0000000  }
0x3: {  	_ = 	snop  }
0x4: {  	_ = 	snop  }
0x5: {  	_ = 	snop  }
0x6: {  	_ = 	snop  }
0x7: {  	_ = 	snop  }
__scs_overlays_trampoline_lowered:
0x8: {  	[smem:$0x3FA1] =	sst s0  }
0x9: {  	[smem:$0x3FA2] =	sst s1  }
0xa: {  	[smem:$0x3FA3] =	sst s2  }
0xb: {  	[smem:$0x3FA4] =	sst s3  }
0xc: {  	[smem:$0x3FA5] =	sst s4  }
0xd: {  	[smem:$0x3FA6] =	sst s5  }
0xe: {  	[smem:$0x3FA7] =	sst s6  }
0xf: {  	[smem:$0x3FA8] =	sst s7  }
0x10: {  	[smem:$0x3FA9] =	sst s8  }
0x11: {  	[smem:$0x3FAA] =	sst s9;
	s0 =	simm.s32 @!p0 $0x0  }
0x12: {  	s1 =	sld [smem:$0x3F90];
	s0 =	simm.s32 @p0 $0x1  }
0x13: {  	[smem:$0x3FAB] =	sst s0;
	s0 =	simm.s32 @!p1 $0x0  }
0x14: {  	s2 =	sld [smem:$0x3F8F];
	s0 =	simm.s32 @p1 $0x1  }
0x15: {  	[smem:$0x3FAC] =	sst s0;
	s0 =	simm.s32 @!p2 $0x0  }
0x16: {  	s3 =	sld [smem:$0x3FDB];
	s0 =	simm.s32 @p2 $0x1  }
0x17: {  	s4 =	simm.s32 $0x1BF5;
	[smem:$0x3FAE] =	sst s0  }
0x18: {  	s0 =	sld [smem:$0x3F91];
	_ =	swait.ge [sflag:s4], $0x0  }
0x19: {  	s7 =	sld [smem:$0x3F92]  }
0x1a: {  	s8 =	sadd.s32 $0xFFFFE003, lr  }
0x1b: {  	s9 =	sadd.s32 $0xFFFFFEF7, lr;
	s5 =	simm.s32 $0xFFFFFFFF;
	p2 =	slt.u32 s8, $0xFFFFF086  }
0x1c: {  	p1 =	slt.u32 s9, $0xF7A;
	s5 =	simm.s32 @!p2 $0x0  }
0x1d: {  	s5 =	simm.s32 @p1 $0x1;
	p0 =	seq.s32 s7, s2  }
0x1e: {  	s7 =	smul.u32 @!p0 $0xF7A, s2;
	p2 =	seq.s32 @!p0 s5, $0x0  }
0x1f: {  	s9 =	smul.u32 $0xF7A, s1;
	s8 =	simm.s32 @!p0 $0x1BF5;
	p2 =	por !p2, p0  }
0x20: {  	[sflag:s8] =	ssyncset.s32 @!p0 $0xFFFFF086;
	s6 =	sadd.s32 @!p0 s3, s7;
	s7 =	simm.s32 @!p0 $0x108  }
0x21: {  	s3 =	sadd.s32 s3, s9;
	s6 =	sadd.s32 @!p0 $0x88, s6;
	s7 =	simm.s32 @p2 $0x1082  }
0x22: {  	[simem:s7], [sflag:s8] =	dma.local @!p0 [hbm:s6], $0xF7A  }
0x23: {  	s9 =	sor.u32 $0xD0000000, s2;
	s6 =	simm.s32 $0x108;
	_ =	swait.ge @!p0 [sflag:s8], $0x0  }
0x24: {  	s3 =	sadd.s32 $0x88, s3;
	s6 =	simm.s32 @!p1 $0x1082;
	[sflag:s4] =	ssyncset.s32 $0xFFFFF086  }
0x25: {  	[simem:s6], [sflag:s4] =	dma.local [hbm:s3], $0xF7A  }
0x26: {  	[smem:$0x3F92] =	sst s1;
	(tag) =	ssettag s2;
	_ =	strace s9  }
0x27: {  	s1 =	sld [smem:$0x3FA2]  }
0x28: {  	s2 =	sld [smem:$0x3FA3]  }
0x29: {  	s4 =	sld [smem:$0x3FA5]  }
0x2a: {  	p0 =	seq.s32 s5, $0x0;
	s5 =	sld [smem:$0x3FA6]  }
0x2b: {  	s6 =	sld [smem:$0x3FA7]  }
0x2c: {  	s7 =	sld [smem:$0x3FA8]  }
0x2d: {  	s3 =	simm.s32 $0x108;
	s8 =	sld [smem:$0x3FA9]  }
0x2e: {  	s3 =	simm.s32 @!p0 $0x1082;
	s9 =	sld [smem:$0x3FAA]  }
0x2f: {  	lr =	sadd.s32 s0, s3;
	s0 =	sld [smem:$0x3FA1]  }
0x30: {  	s3 =	sld [smem:$0x3FA4]  }
0x31: {  	[smem:$0x3FAD] =	sst s10  }
0x32: {  	s10 =	sld [smem:$0x3FAB];
	_ =	sdelay $0x3  }
0x33: {  	p0 =	seq.s32 s10, $0x1;
	s10 =	sld [smem:$0x3FAD];
	_ =	sdelay $0x3  }
0x34: {  	[smem:$0x3FAD] =	sst s10  }
0x35: {  	s10 =	sld [smem:$0x3FAC];
	_ =	sdelay $0x3  }
0x36: {  	p1 =	seq.s32 s10, $0x1;
	s10 =	sld [smem:$0x3FAD];
	_ =	sdelay $0x3  }
0x37: {  	[smem:$0x3FAD] =	sst s10  }
0x38: {  	s10 =	sld [smem:$0x3FAE]  }
0x39: {  	_ = 	snop;
	(pc) =	sbr.ind lr, $3  }
0x3a: {  	_ = 	snop  }
0x3b: {  	_ = 	snop  }
0x3c: {  	p2 =	seq.s32 s10, $0x1;
	s10 =	sld [smem:$0x3FAD]  }
0x3d: {  	_ =	shalt  }
0x3e: {  	_ =	shalt  }
0x3f: {  	_ =	shalt  }
0x40: {  	_ =	shalt  }
0x41: {  	_ =	shalt  }
0x42: {  	_ =	shalt  }
0x43: {  	_ =	shalt  }
0x44: {  	_ =	shalt  }
0x45: {  	_ =	shalt  }
0x46: {  	_ =	shalt  }
0x47: {  	_ =	shalt  }
0x48: {  	_ =	shalt  }
0x49: {  	_ =	shalt  }
0x4a: {  	_ =	shalt  }
0x4b: {  	_ =	shalt  }
0x4c: {  	_ =	shalt  }
0x4d: {  	_ =	shalt  }
0x4e: {  	_ =	shalt  }
0x4f: {  	_ =	shalt  }
0x50: {  	_ =	shalt  }
0x51: {  	_ =	shalt  }
0x52: {  	_ =	shalt  }
0x53: {  	_ =	shalt  }
0x54: {  	_ =	shalt  }
0x55: {  	_ =	shalt  }
0x56: {  	_ =	shalt  }
0x57: {  	_ =	shalt  }
0x58: {  	_ =	shalt  }
0x59: {  	_ =	shalt  }
0x5a: {  	_ =	shalt  }
0x5b: {  	_ =	shalt  }
0x5c: {  	_ =	shalt  }
0x5d: {  	_ =	shalt  }
0x5e: {  	_ =	shalt  }
0x5f: {  	_ =	shalt  }
0x60: {  	_ =	shalt  }
0x61: {  	_ =	shalt  }
0x62: {  	_ =	shalt  }
0x63: {  	_ =	shalt  }
0x64: {  	_ =	shalt  }
0x65: {  	_ =	shalt  }
0x66: {  	_ =	shalt  }
0x67: {  	_ =	shalt  }
0x68: {  	_ =	shalt  }
0x69: {  	_ =	shalt  }
0x6a: {  	_ =	shalt  }
0x6b: {  	_ =	shalt  }
0x6c: {  	_ =	shalt  }
0x6d: {  	_ =	shalt  }
0x6e: {  	_ =	shalt  }
0x6f: {  	_ =	shalt  }
0x70: {  	_ =	shalt  }
0x71: {  	_ =	shalt  }
0x72: {  	_ =	shalt  }
0x73: {  	_ =	shalt  }
0x74: {  	_ =	shalt  }
0x75: {  	_ =	shalt  }
0x76: {  	_ =	shalt  }
0x77: {  	_ =	shalt  }
0x78: {  	_ =	shalt  }
0x79: {  	_ =	shalt  }
0x7a: {  	_ =	shalt  }
0x7b: {  	_ =	shalt  }
0x7c: {  	_ =	shalt  }
0x7d: {  	_ =	shalt  }
0x7e: {  	_ =	shalt  }
0x7f: {  	_ =	shalt  }
0x80: {  	_ =	shalt  }
0x81: {  	_ =	shalt  }
0x82: {  	_ =	shalt  }
0x83: {  	_ =	shalt  }
0x84: {  	_ =	shalt  }
0x85: {  	_ =	shalt  }
0x86: {  	_ =	shalt  }
0x87: {  	_ =	shalt  }
.Lfunc_end0:
.L_simem_size_0:
called_computation.1_lowered:
.L_overlay_start_0:
0x88: {  	s2 =	sld [smem:$0x3FD9]  }
0x89: {  	s3 =	sld [smem:$0x3FFE];
	_ =	sdelay $0x1  }
0x8a: {  	s1 =	srdreg.scid  }
0x8b: {  	s0 =	sand.u32 $0x1, s1  }
0x8c: {  	s14 =	sshll.u32 s0, $0xA;
	s2 =	sadd.s32 s3, s2  }
0x8d: {  	s2 =	sadd.s32 s2, s14  }
0x8e: {  	[smem:$0x3FB9] =	sst s2  }
0x8f: {  	_ = 	snop  }
0x90: {  	s2 =	sld [smem:$0x3FD0];
	_ =	sdelay $0x2  }
0x91: {  	s15 =	simm.s32 $0xA;
	s4 =	simm.s32 $0x10  }
0x92: {  	[smem:s4], [sflag:s15] =	dma.local [hbm:s2], $0x1  }
0x93: {  	_ =	swait.eq [sflag:s15], $0x1  }
0x94: {  	[sflag:s15] =	ssyncset.done $0x0  }
0x95: {  	[sflag:s15] =	ssyncadd.s32 $0xFFFFFFFF  }
0x96: {  	s16 =	sld [smem:$0x10];
	(tm) =	ssettm $0x1  }
0x97: {  	s17 =	sld [smem:$0x3FFB];
	_ =	sdelay $0x3  }
0x98: {  	_ =	strace s17  }
0x99: {  	s3 =	sld [smem:$0x3FFC];
	_ =	sdelay $0x3  }
0x9a: {  	_ =	strace s3  }
0x9b: {  	s3 =	sld [smem:$0x3FFD];
	_ =	sdelay $0x3  }
0x9c: {  	_ =	strace s3  }
0x9d: {  	_ =	strace $0x8FFFFFFF  }
0x9e: {  	s18 =	sld [smem:$0x3FDB];
	_ =	sdelay $0x1  }
0x9f: {  	s19 =	simm.s32 $_scs_section_size  }
0xa0: {  	s5 =	simm.s32 $_size__tile_overlayer_lowered;
	s6 =	simm.s32 $_tile_overlayer_lowered  }
0xa1: {  	s22 =	simm.s32 $0x1BFF;
	s21 =	sshll.u32 s6, $0x1;
	s3 =	sadd.s32 s19, s18  }
0xa2: {  	s7 =	simm.s32 $0x0;
	s20 =	sshll.u32 s5, $0x1;
	s5 =	sadd.s32 s21, s3  }
0xa3: {  	[timem:s7], [sflag:s22] =	dma.local [hbm:s5], s20  }
0xa4: {  	_ =	swait.ge [sflag:s22], s20  }
0xa5: {  	s4 =	ssub.s32 $0x0, s20;
	[sflag:s22] =	ssyncset.done $0x0  }
0xa6: {  	[sflag:s22] =	ssyncadd.s32 s4;
	_ =	sdelay $0x1  }
0xa7: {  	s23 =	simm.s32 $0x1B8B  }
0xa8: {  	_ =	swait.ge [sflag:s23], $0x1  }
0xa9: {  	[sflag:s23] =	ssyncset.done $0x0  }
0xaa: {  	s25 =	simm.s32 $0x1B8E;
	s24 =	sld [smem:$0x3FFE];
	[sflag:s23] =	ssyncadd.s32 $0xFFFFFFFF  }
0xab: {  	s26 =	simm.s32 $execute0_lowered;
	[smem:$0x3FD2] =	sst s25  }
0xac: {  	s5 =	sshll.u32 s26, $0x1;
	_ =	strace $0x80000049;
	[dreg:$0x1] =	wrdreg $0xFFFFFFFF  }
0xad: {  	s28 =	simm.s32 $_size_execute0_lowered;
	s3 =	sadd.s32 s3, s5;
	[dreg:$0x0] =	wrdreg $0x0  }
0xae: {  	s5 =	sshll.u32 s28, $0x1;
	[dreg:$0x2] =	wrdreg s3  }
0xaf: {  	[dreg:$0x3] =	wrdreg s5  }
0xb0: {  	[dreg:$0x4] =	wrdreg $0xC0  }
0xb1: {  	_ =	task [dreg:s7], $0x5FFFF  }
0xb2: {  	[dreg:$0x1] =	wrdreg $0xFFFFFFFF  }
0xb3: {  	[dreg:$0x0] =	wrdreg $0x60  }
0xb4: {  	[dreg:$0x2] =	wrdreg s24  }
0xb5: {  	[dreg:$0x3] =	wrdreg s16  }
0xb6: {  	[dreg:$0x4] =	wrdreg $0x32A00  }
0xb7: {  	[dreg:$0x5] =	wrdreg $0x9  }
0xb8: {  	_ =	task.clear_ibuf [dreg:s7], $0x6FFFF;
	_ =	strace $0x90000049  }
0xb9: {  	s29 =	simm.s32 $0x9;
	_ =	strace $0x8000004B  }
0xba: {  	_ =	swait.ge [sflag:s29], $0x1  }
0xbb: {  	[sflag:s29] =	ssyncadd.s32 $0xFFFFFFFF  }
0xbc: {  	_ =	strace $0x9000004B  }
0xbd: {  	_ =	sfence  }
0xbe: {  	s30 =	sld [smem:$0x0];
	_ =	sdelay $0x2  }
0xbf: {  	s31 =	sshll.u32 s1, $0xD;
	s1 =	sshrl.u32 s1, $0x2  }
0xc0: {  	s3 =	sand.u32 $0x4000, s31;
	s1 =	sadd.s32 s1, s30  }
0xc1: {  	s0 =	sor.u32 s3, s0;
	s1 =	sshll.u32 s1, $0x11  }
0xc2: {  	s0 =	sor.u32 s1, s0  }
0xc3: {  	s0 =	sadd.s32 $0x8F2B, s0  }
0xc4: {  	[sflag:s0] =	ssyncadd.remote.s32 $0x1  }
0xc5: {  	_ =	sfence.sel $0xFFFF  }
0xc6: {  	[dreg:$0x0] =	wrdreg $0xFFFFFFFF;
	(pc) =	sbr.abs _section_cstart, $3  }
0xc7: {  	[dreg:$0x1] =	wrdreg $0xFFFFFFFF  }
0xc8: {  	_ =	task.clear_ibuf [dreg:s7], $0x2FFFF;
	_ =	strace $0x9FFFFFFF  }
0xc9: {  	(tm) =	ssettm $0x7FFFFFFF  }
tec
execute0_lowered:
.L_overlay_start_1:
0x0: {  	(tag) =	ssettag $0x1  }
0x1: {  	s5 =	rddreg [dreg:$0x0];
	s3 =	srdreg.scid  }
0x2: {  	s1 =	rddreg [dreg:$0x1];
	s6 =	sand.u32 $0x1, s3  }
0x3: {  	s3 =	stileid.u32;
	s7 =	smul.u32 $0x28000, s6  }
0x4: {  	s2 =	rddreg [dreg:$0x2];
	s9 =	smul.u32 $0x2800, s3  }
0x5: {  	s0 =	rddreg [dreg:$0x3];
	s4 =	simm.s32 $0x0;
	s14 =	smul.u32 $0xA140, s3  }
0x6: {  	s19 =	simm.s32 $0x0;
	[smem:$0x7FF] =	sst s4;
	s26 =	smul.u32 $0x3D400, s6  }
0x7: {  	s10 =	sadd.s32 $0x1C00, s5;
	s11 =	sadd.s32 $0x94C00, s5;
	s28 =	smul.u32 $0x6200, s6  }
0x8: {  	s8 =	sshll.u32 s6, $0x4;
	_ =	strace $0x8000004A;
	s17 =	smul.u32 $0x620, s3  }
0x9: {  	s12 =	ssub.s32 $0x2, s6;
	s25 =	sshll.u32 s3, $0x6;
	s30 =	smul.u32 $0x3D40, s3  }
0xa: {  	s8 =	sor.u32 s3, s8;
	s13 =	sshrl.u32 s12, $0x1;
	s7 =	sadd.s32 s9, s7  }
0xb: {  	s8 =	smul.u32 $0x620, s8;
	s12 =	ssub.s32 s12, s13;
	s24 =	sshrl.u32 s14, $0x2  }
0xc: {  	s18 =	sadd.s32 s9, s2;
	s13 =	sadd.s32 s17, s28;
	s14 =	simm.s32 $0x80  }
0xd: {  	s17 =	simm.s32 $0x20;
	s7 =	sshrl.u32 s7, $0x3;
	s16 =	sadd.s32 s24, s2  }
0xe: {  	s9 =	smax.u32 s12, $0x1;
	s31 =	sshrl.u32 s13, $0x3;
	s13 =	simm.s32 $0x1  }
0xf: {  	s18 =	sshrl.u32 s18, $0x3;
	s8 =	sadd.s32 $0x600, s8;
	s15 =	sadd.s32 s7, s5  }
0x10: {  	s5 =	sor.u32 $0x1C01, s25;
	s12 =	sshrl.u32 s16, $0x3;
	s23 =	smul.u32 $0xA, s8  }
0x11: {  	s16 =	simm.s32 $0x2880;
	s29 =	sshrl.u32 s8, $0x3;
	s8 =	sadd.s32 $0x7C400, s15  }
0x12: {  	s15 =	simm.s32 $0x28A0;
	s6 =	sadd.s32 s10, s23;
	s10 =	sadd.s32 s26, s10  }
0x13: {  	s7 =	sadd.s32 s11, s29;
	s11 =	sadd.s32 s31, s11;
	s10 =	sadd.s32 s30, s10  }
.LBB2_1:
0x14: {  	[spmem:s12], [sflag:s5] =	dma.local [hbm:s1], $0x50A  }
0x15: {  	_ =	swait.ge [sflag:s13], $0x50A  }
0x16: {  	[sflag:s13] =	ssyncset.done $0x0  }
0x17: {  	[sflag:s13] =	ssyncadd.s32 $0xFFFFFAF6  }
0x18: {  	[bflag:$0x0] =	sbarrier.arrive $0xFFFF  }
0x19: {  	[tilespmem:s14], [sflag:$0x1] =	stream.linear.gather [hbm4b:s10+s4], $0x2800, $0x38;
	[tilespmem:$0x5AF0] =	vst v63  }
0x1a: {  	_ =	swait.ge [sflag:s13], $0x2800  }
0x1b: {  	[sflag:s13] =	ssyncset.done $0x0  }
0x1c: {  	s20 =	sadd.s32 $0x0, s11;
	[sflag:s13] =	ssyncadd.s32 $0xFFFFD800  }
0x1d: {  	[tilespmem:s4], [sflag:$0x1] =	stream.linear.gather [hbm4b:s20+s4], $0x80, $0x38;
	[tilespmem:$0x5AF0] =	vst v63  }
0x1e: {  	_ =	swait.ge [sflag:s13], $0x80  }
0x1f: {  	[sflag:s13] =	ssyncset.done $0x0  }
0x20: {  	[sflag:s13] =	ssyncadd.s32 $0xFFFFFF80  }
0x21: {  	[spmem:s2] =	stream.indirect.scatter.add.f32 [tilespmem:s14], [sflag:$0x1], $0x50, s4, s14, $0xb8;
	[tilespmem:$0x5AF0] =	vst v63  }
0x22: {  	_ =	swait.ge [sflag:s13], $0x2800  }
0x23: {  	s21 =	smov.u32 s10;
	s20 =	simm.s32 $0x10;
	[sflag:s13] =	ssyncset.done $0x0  }
.LBB2_2:
0x24: {  	p0 =	sne.s32 s20, $0xB0;
	[sflag:s13] =	ssyncadd.s32 $0xFFFFD800;
	s21 =	sadd.s32 $0x500, s21  }
0x25: {  	[tilespmem:s14], [sflag:$0x1] =	stream.linear.gather [hbm4b:s21+s4], $0x2800, $0x38;
	[tilespmem:$0x5AF0] =	vst v63  }
0x26: {  	s22 =	smov.u32 s20;
	s20 =	sadd.s32 $0x10, s20;
	_ =	swait.ge [sflag:s13], $0x2800  }
0x27: {  	[sflag:s13] =	ssyncset.done $0x0  }
0x28: {  	s22 =	sadd.s32 s22, s11;
	[sflag:s13] =	ssyncadd.s32 $0xFFFFD800  }
0x29: {  	[tilespmem:s4], [sflag:$0x1] =	stream.linear.gather [hbm4b:s22+s4], $0x80, $0x38;
	[tilespmem:$0x5AF0] =	vst v63  }
0x2a: {  	_ =	swait.ge [sflag:s13], $0x80  }
.Ltmp0:
0x2b: {  	[sflag:s13] =	ssyncset.done $0x0;
	(pc) =	sbr.rel @p0 .LBB2_2-.Ltmp0, $4  }
0x2c: {  	[sflag:s13] =	ssyncadd.s32 $0xFFFFFF80  }
0x2d: {  	[spmem:s2] =	stream.indirect.scatter.add.f32 [tilespmem:s14], [sflag:$0x1], $0x50, s4, s14, $0xb8;
	[tilespmem:$0x5AF0] =	vst v63  }
0x2e: {  	_ =	swait.ge [sflag:s13], $0x2800  }
0x2f: {  	[sflag:s13] =	ssyncset.done $0x0  }
0x30: {  	[sflag:s13] =	ssyncadd.s32 $0xFFFFD800  }
0x31: {  	[tilespmem:s15], [sflag:$0x1] =	stream.linear.gather [hbm4b:s6+s4], $0xA00, $0x38;
	[tilespmem:$0x5AF0] =	vst v63  }
0x32: {  	_ =	swait.ge [sflag:s13], $0xA00  }
0x33: {  	[sflag:s13] =	ssyncset.done $0x0  }
0x34: {  	[sflag:s13] =	ssyncadd.s32 $0xFFFFF600  }
0x35: {  	[tilespmem:s16], [sflag:$0x1] =	stream.linear.gather [hbm4b:s7+s4], $0x20, $0x38;
	[tilespmem:$0x5AF0] =	vst v63  }
0x36: {  	_ =	swait.ge [sflag:s13], $0x20  }
0x37: {  	[sflag:s13] =	ssyncset.done $0x0  }
0x38: {  	[sflag:s13] =	ssyncadd.s32 $0xFFFFFFE0  }
0x39: {  	[spmem:s2] =	stream.indirect.scatter.add.f32 [tilespmem:s15], [sflag:$0x1], $0x50, s16, s17, $0xb8;
	[tilespmem:$0x5AF0] =	vst v63  }
0x3a: {  	_ =	swait.ge [sflag:s13], $0xA00  }
0x3b: {  	s19 =	sadd.s32 $0x1, s19;
	[sflag:s13] =	ssyncset.done $0x0  }
0x3c: {  	p0 =	sne.s32 s19, s9;
	[sflag:s13] =	ssyncadd.s32 $0xFFFFF600  }
.Ltmp1:
0x3d: {  	[bflag:$0x0] =	sbarrier.arrive $0xFFFF;
	(pc) =	sbr.rel @p0 .LBB2_1-.Ltmp1, $4  }
0x3e: {  	[hbm:s8], [sflag:s5] =	dma.local [spmem:s18], $0x500  }
0x3f: {  	_ =	swait.ge [sflag:s13], $0x500  }
0x40: {  	[sflag:s13] =	ssyncset.done $0x0  }
0x41: {  	[sflag:s13] =	ssyncadd.s32 $0xFFFFFB00  }
0x42: {  	_ =	sfence.sel $0x180000  }
0x43: {  	[bflag:$0x0] =	sbarrier.arrive $0xFFFF  }
0x44: {  	p0 =	sne.s32 s3, $0x0;
	_ =	strace $0x9000004A  }
0x45: {  	s0 =	sadd.s32 @!p0 $0x100000, s0;
	[bflag:$0x2] =	sbarrier.arrive $0xFFFF  }
0x46: {  	[sflag:s0] =	ssyncadd.tile.s32 @!p0 $0x1;
	_ =	shalt  }
.Lfunc_end2:
_tile_overlayer_lowered:
.L_overlay_start_2:
0x47: {  	(tag) =	ssettag $0x2  }
0x48: {  	s0 =	rddreg [dreg:$0x0];
	s2 =	stileid.u32  }
0x49: {  	s1 =	rddreg [dreg:$0x1];
	p0 =	sne.s32 s2, $0x0  }
0x4a: {  	s3 =	rddreg [dreg:$0x2];
	[bflag:$0x3] =	sbarrier.arrive $0xFFFF;
	s2 =	simm.s32 @!p0 $0x1C01  }
0x4b: {  	[timem:s3], [sflag:s2] =	dma.local @!p0 [hbm:s0], s1  }
0x4c: {  	s0 =	simm.s32 @!p0 $0x1  }
0x4d: {  	_ =	swait.ge @!p0 [sflag:s0], s1  }
0x4e: {  	s1 =	ssub.s32 @!p0 $0x0, s1;
	[sflag:s0] =	ssyncset.done @!p0 $0x0  }
0x4f: {  	[sflag:s0] =	ssyncadd.s32 @!p0 s1  }
0x50: {  	[bflag:$0x3] =	sbarrier.arrive $0xFFFF  }
0x51: {  	_ =	shalt  }

// kernel: kernel.15.cloned.1.call-start
scs
__scs_entry_jumppad:
0x0: {  	(pc) =	sbr.rel $0x88, $3  }
0x1: {  	(tag) =	ssettag $0x0;
	lr =	simm.s32 $0x1  }
0x2: {  	[smem:$0x3F92] =	sst lr;
	_ =	strace $0xD0000000  }
0x3: {  	_ = 	snop  }
0x4: {  	_ = 	snop  }
0x5: {  	_ = 	snop  }
0x6: {  	_ = 	snop  }
0x7: {  	_ = 	snop  }
__scs_overlays_trampoline_lowered:
0x8: {  	[smem:$0x3FA1] =	sst s0  }
0x9: {  	[smem:$0x3FA2] =	sst s1  }
0xa: {  	[smem:$0x3FA3] =	sst s2  }
0xb: {  	[smem:$0x3FA4] =	sst s3  }
0xc: {  	[smem:$0x3FA5] =	sst s4  }
0xd: {  	[smem:$0x3FA6] =	sst s5  }
0xe: {  	[smem:$0x3FA7] =	sst s6  }
0xf: {  	[smem:$0x3FA8] =	sst s7  }
0x10: {  	[smem:$0x3FA9] =	sst s8  }
0x11: {  	[smem:$0x3FAA] =	sst s9;
	s0 =	simm.s32 @!p0 $0x0  }
0x12: {  	s1 =	sld [smem:$0x3F90];
	s0 =	simm.s32 @p0 $0x1  }
0x13: {  	[smem:$0x3FAB] =	sst s0;
	s0 =	simm.s32 @!p1 $0x0  }
0x14: {  	s2 =	sld [smem:$0x3F8F];
	s0 =	simm.s32 @p1 $0x1  }
0x15: {  	[smem:$0x3FAC] =	sst s0;
	s0 =	simm.s32 @!p2 $0x0  }
0x16: {  	s3 =	sld [smem:$0x3FDB];
	s0 =	simm.s32 @p2 $0x1  }
0x17: {  	s4 =	simm.s32 $0x1BF5;
	[smem:$0x3FAE] =	sst s0  }
0x18: {  	s0 =	sld [smem:$0x3F91];
	_ =	swait.ge [sflag:s4], $0x0  }
0x19: {  	s7 =	sld [smem:$0x3F92]  }
0x1a: {  	s8 =	sadd.s32 $0xFFFFE003, lr  }
0x1b: {  	s9 =	sadd.s32 $0xFFFFFEF7, lr;
	s5 =	simm.s32 $0xFFFFFFFF;
	p2 =	slt.u32 s8, $0xFFFFF086  }
0x1c: {  	p1 =	slt.u32 s9, $0xF7A;
	s5 =	simm.s32 @!p2 $0x0  }
0x1d: {  	s5 =	simm.s32 @p1 $0x1;
	p0 =	seq.s32 s7, s2  }
0x1e: {  	s7 =	smul.u32 @!p0 $0xF7A, s2;
	p2 =	seq.s32 @!p0 s5, $0x0  }
0x1f: {  	s9 =	smul.u32 $0xF7A, s1;
	s8 =	simm.s32 @!p0 $0x1BF5;
	p2 =	por !p2, p0  }
0x20: {  	[sflag:s8] =	ssyncset.s32 @!p0 $0xFFFFF086;
	s6 =	sadd.s32 @!p0 s3, s7;
	s7 =	simm.s32 @!p0 $0x108  }
0x21: {  	s3 =	sadd.s32 s3, s9;
	s6 =	sadd.s32 @!p0 $0x88, s6;
	s7 =	simm.s32 @p2 $0x1082  }
0x22: {  	[simem:s7], [sflag:s8] =	dma.local @!p0 [hbm:s6], $0xF7A  }
0x23: {  	s9 =	sor.u32 $0xD0000000, s2;
	s6 =	simm.s32 $0x108;
	_ =	swait.ge @!p0 [sflag:s8], $0x0  }
0x24: {  	s3 =	sadd.s32 $0x88, s3;
	s6 =	simm.s32 @!p1 $0x1082;
	[sflag:s4] =	ssyncset.s32 $0xFFFFF086  }
0x25: {  	[simem:s6], [sflag:s4] =	dma.local [hbm:s3], $0xF7A  }
0x26: {  	[smem:$0x3F92] =	sst s1;
	(tag) =	ssettag s2;
	_ =	strace s9  }
0x27: {  	s1 =	sld [smem:$0x3FA2]  }
0x28: {  	s2 =	sld [smem:$0x3FA3]  }
0x29: {  	s4 =	sld [smem:$0x3FA5]  }
0x2a: {  	p0 =	seq.s32 s5, $0x0;
	s5 =	sld [smem:$0x3FA6]  }
0x2b: {  	s6 =	sld [smem:$0x3FA7]  }
0x2c: {  	s7 =	sld [smem:$0x3FA8]  }
0x2d: {  	s3 =	simm.s32 $0x108;
	s8 =	sld [smem:$0x3FA9]  }
0x2e: {  	s3 =	simm.s32 @!p0 $0x1082;
	s9 =	sld [smem:$0x3FAA]  }
0x2f: {  	lr =	sadd.s32 s0, s3;
	s0 =	sld [smem:$0x3FA1]  }
0x30: {  	s3 =	sld [smem:$0x3FA4]  }
0x31: {  	[smem:$0x3FAD] =	sst s10  }
0x32: {  	s10 =	sld [smem:$0x3FAB];
	_ =	sdelay $0x3  }
0x33: {  	p0 =	seq.s32 s10, $0x1;
	s10 =	sld [smem:$0x3FAD];
	_ =	sdelay $0x3  }
0x34: {  	[smem:$0x3FAD] =	sst s10  }
0x35: {  	s10 =	sld [smem:$0x3FAC];
	_ =	sdelay $0x3  }
0x36: {  	p1 =	seq.s32 s10, $0x1;
	s10 =	sld [smem:$0x3FAD];
	_ =	sdelay $0x3  }
0x37: {  	[smem:$0x3FAD] =	sst s10  }
0x38: {  	s10 =	sld [smem:$0x3FAE]  }
0x39: {  	_ = 	snop;
	(pc) =	sbr.ind lr, $3  }
0x3a: {  	_ = 	snop  }
0x3b: {  	_ = 	snop  }
0x3c: {  	p2 =	seq.s32 s10, $0x1;
	s10 =	sld [smem:$0x3FAD]  }
0x3d: {  	_ =	shalt  }
0x3e: {  	_ =	shalt  }
0x3f: {  	_ =	shalt  }
0x40: {  	_ =	shalt  }
0x41: {  	_ =	shalt  }
0x42: {  	_ =	shalt  }
0x43: {  	_ =	shalt  }
0x44: {  	_ =	shalt  }
0x45: {  	_ =	shalt  }
0x46: {  	_ =	shalt  }
0x47: {  	_ =	shalt  }
0x48: {  	_ =	shalt  }
0x49: {  	_ =	shalt  }
0x4a: {  	_ =	shalt  }
0x4b: {  	_ =	shalt  }
0x4c: {  	_ =	shalt  }
0x4d: {  	_ =	shalt  }
0x4e: {  	_ =	shalt  }
0x4f: {  	_ =	shalt  }
0x50: {  	_ =	shalt  }
0x51: {  	_ =	shalt  }
0x52: {  	_ =	shalt  }
0x53: {  	_ =	shalt  }
0x54: {  	_ =	shalt  }
0x55: {  	_ =	shalt  }
0x56: {  	_ =	shalt  }
0x57: {  	_ =	shalt  }
0x58: {  	_ =	shalt  }
0x59: {  	_ =	shalt  }
0x5a: {  	_ =	shalt  }
0x5b: {  	_ =	shalt  }
0x5c: {  	_ =	shalt  }
0x5d: {  	_ =	shalt  }
0x5e: {  	_ =	shalt  }
0x5f: {  	_ =	shalt  }
0x60: {  	_ =	shalt  }
0x61: {  	_ =	shalt  }
0x62: {  	_ =	shalt  }
0x63: {  	_ =	shalt  }
0x64: {  	_ =	shalt  }
0x65: {  	_ =	shalt  }
0x66: {  	_ =	shalt  }
0x67: {  	_ =	shalt  }
0x68: {  	_ =	shalt  }
0x69: {  	_ =	shalt  }
0x6a: {  	_ =	shalt  }
0x6b: {  	_ =	shalt  }
0x6c: {  	_ =	shalt  }
0x6d: {  	_ =	shalt  }
0x6e: {  	_ =	shalt  }
0x6f: {  	_ =	shalt  }
0x70: {  	_ =	shalt  }
0x71: {  	_ =	shalt  }
0x72: {  	_ =	shalt  }
0x73: {  	_ =	shalt  }
0x74: {  	_ =	shalt  }
0x75: {  	_ =	shalt  }
0x76: {  	_ =	shalt  }
0x77: {  	_ =	shalt  }
0x78: {  	_ =	shalt  }
0x79: {  	_ =	shalt  }
0x7a: {  	_ =	shalt  }
0x7b: {  	_ =	shalt  }
0x7c: {  	_ =	shalt  }
0x7d: {  	_ =	shalt  }
0x7e: {  	_ =	shalt  }
0x7f: {  	_ =	shalt  }
0x80: {  	_ =	shalt  }
0x81: {  	_ =	shalt  }
0x82: {  	_ =	shalt  }
0x83: {  	_ =	shalt  }
0x84: {  	_ =	shalt  }
0x85: {  	_ =	shalt  }
0x86: {  	_ =	shalt  }
0x87: {  	_ =	shalt  }
.Lfunc_end0:
.L_simem_size_0:
called_computation.2_lowered:
.L_overlay_start_0:
0x88: {  	s2 =	sld [smem:$0x3FD9]  }
0x89: {  	s3 =	sld [smem:$0x3FFE];
	_ =	sdelay $0x1  }
0x8a: {  	s1 =	srdreg.scid  }
0x8b: {  	s0 =	sand.u32 $0x1, s1  }
0x8c: {  	s14 =	sshll.u32 s0, $0xA;
	s2 =	sadd.s32 s3, s2  }
0x8d: {  	s2 =	sadd.s32 s2, s14  }
0x8e: {  	[smem:$0x3FB9] =	sst s2  }
0x8f: {  	_ = 	snop  }
0x90: {  	s2 =	sld [smem:$0x3FD0];
	_ =	sdelay $0x2  }
0x91: {  	s15 =	simm.s32 $0xA;
	s4 =	simm.s32 $0x10  }
0x92: {  	[smem:s4], [sflag:s15] =	dma.local [hbm:s2], $0x1  }
0x93: {  	_ =	swait.eq [sflag:s15], $0x1  }
0x94: {  	[sflag:s15] =	ssyncset.done $0x0  }
0x95: {  	[sflag:s15] =	ssyncadd.s32 $0xFFFFFFFF  }
0x96: {  	s16 =	sld [smem:$0x11];
	(tm) =	ssettm $0x1  }
0x97: {  	s17 =	sld [smem:$0x3FFB];
	_ =	sdelay $0x3  }
0x98: {  	_ =	strace s17  }
0x99: {  	s3 =	sld [smem:$0x3FFC];
	_ =	sdelay $0x3  }
0x9a: {  	_ =	strace s3  }
0x9b: {  	s3 =	sld [smem:$0x3FFD];
	_ =	sdelay $0x3  }
0x9c: {  	_ =	strace s3  }
0x9d: {  	_ =	strace $0x8FFFFFFF  }
0x9e: {  	s18 =	sld [smem:$0x3FDB];
	_ =	sdelay $0x1  }
0x9f: {  	s19 =	simm.s32 $_scs_section_size  }
0xa0: {  	s5 =	simm.s32 $_size__tile_overlayer_lowered;
	s6 =	simm.s32 $_tile_overlayer_lowered  }
0xa1: {  	s22 =	simm.s32 $0x1BFF;
	s21 =	sshll.u32 s6, $0x1;
	s3 =	sadd.s32 s19, s18  }
0xa2: {  	s7 =	simm.s32 $0x0;
	s20 =	sshll.u32 s5, $0x1;
	s5 =	sadd.s32 s21, s3  }
0xa3: {  	[timem:s7], [sflag:s22] =	dma.local [hbm:s5], s20  }
0xa4: {  	_ =	swait.ge [sflag:s22], s20  }
0xa5: {  	s4 =	ssub.s32 $0x0, s20;
	[sflag:s22] =	ssyncset.done $0x0  }
0xa6: {  	[sflag:s22] =	ssyncadd.s32 s4;
	_ =	sdelay $0x1  }
0xa7: {  	s23 =	simm.s32 $0x1B8B  }
0xa8: {  	_ =	swait.ge [sflag:s23], $0x1  }
0xa9: {  	[sflag:s23] =	ssyncset.done $0x0  }
0xaa: {  	s25 =	simm.s32 $0x1B8E;
	s24 =	sld [smem:$0x3FFE];
	[sflag:s23] =	ssyncadd.s32 $0xFFFFFFFF  }
0xab: {  	s26 =	simm.s32 $execute0_lowered;
	[smem:$0x3FD2] =	sst s25  }
0xac: {  	s5 =	sshll.u32 s26, $0x1;
	_ =	strace $0x8000004C;
	[dreg:$0x1] =	wrdreg $0xFFFFFFFF  }
0xad: {  	s28 =	simm.s32 $_size_execute0_lowered;
	s3 =	sadd.s32 s3, s5;
	[dreg:$0x0] =	wrdreg $0x0  }
0xae: {  	s5 =	sshll.u32 s28, $0x1;
	[dreg:$0x2] =	wrdreg s3  }
0xaf: {  	[dreg:$0x3] =	wrdreg s5  }
0xb0: {  	[dreg:$0x4] =	wrdreg $0xC0  }
0xb1: {  	_ =	task [dreg:s7], $0x5FFFF  }
0xb2: {  	[dreg:$0x1] =	wrdreg $0xFFFFFFFF  }
0xb3: {  	[dreg:$0x0] =	wrdreg $0x60  }
0xb4: {  	[dreg:$0x2] =	wrdreg s24  }
0xb5: {  	[dreg:$0x3] =	wrdreg s16  }
0xb6: {  	[dreg:$0x4] =	wrdreg $0x9  }
0xb7: {  	_ =	task.clear_ibuf [dreg:s7], $0x5FFFF;
	_ =	strace $0x9000004C  }
0xb8: {  	s29 =	simm.s32 $0x9;
	_ =	strace $0x8000004E  }
0xb9: {  	_ =	swait.ge [sflag:s29], $0x1  }
0xba: {  	[sflag:s29] =	ssyncadd.s32 $0xFFFFFFFF  }
0xbb: {  	_ =	strace $0x9000004E  }
0xbc: {  	_ =	sfence  }
0xbd: {  	s30 =	sld [smem:$0x0];
	_ =	sdelay $0x2  }
0xbe: {  	s31 =	sshll.u32 s1, $0xD;
	s1 =	sshrl.u32 s1, $0x2  }
0xbf: {  	s3 =	sand.u32 $0x4000, s31;
	s1 =	sadd.s32 s1, s30  }
0xc0: {  	s0 =	sor.u32 s3, s0;
	s1 =	sshll.u32 s1, $0x11  }
0xc1: {  	s0 =	sor.u32 s1, s0  }
0xc2: {  	s0 =	sadd.s32 $0x8F2B, s0  }
0xc3: {  	[sflag:s0] =	ssyncadd.remote.s32 $0x1  }
0xc4: {  	_ =	sfence.sel $0xFFFF  }
0xc5: {  	[dreg:$0x0] =	wrdreg $0xFFFFFFFF;
	(pc) =	sbr.abs _section_cstart, $3  }
0xc6: {  	[dreg:$0x1] =	wrdreg $0xFFFFFFFF  }
0xc7: {  	_ =	task.clear_ibuf [dreg:s7], $0x2FFFF;
	_ =	strace $0x9FFFFFFF  }
0xc8: {  	(tm) =	ssettm $0x7FFFFFFF  }
0xc9: {  	_ =	shalt  }
tec
execute0_lowered:
.L_overlay_start_1:
0x0: {  	(tag) =	ssettag $0x1  }
0x1: {  	s4 =	rddreg [dreg:$0x0]  }
0x2: {  	s7 =	rddreg [dreg:$0x1]  }
0x3: {  	s0 =	rddreg [dreg:$0x2];
	s3 =	srdreg.scid  }
0x4: {  	s2 =	simm.s32 $0x0;
	s1 =	stileid.u32;
	s12 =	simm.s32 $0x0  }
0x5: {  	s5 =	sand.u32 $0x1, s3;
	[smem:$0x7FF] =	sst s2;
	s8 =	sshll.u32 s1, $0x9  }
0x6: {  	s3 =	sadd.s32 $0x1C00, s4;
	s10 =	sshll.u32 s1, $0xC;
	s6 =	sshll.u32 s5, $0xD  }
0x7: {  	s30 =	sshll.u32 s5, $0x10;
	s5 =	ssub.s32 $0x2, s5;
	s6 =	sor.u32 s8, s6  }
0x8: {  	_ =	strace $0x8000004D;
	s9 =	sshrl.u32 s5, $0x1;
	s8 =	sshrl.u32 s6, $0x3  }
0x9: {  	s6 =	sadd.s32 s30, s4;
	s31 =	ssub.s32 s5, s9;
	s9 =	simm.s32 $0x2  }
0xa: {  	s11 =	sadd.s32 s8, s4;
	s6 =	sadd.s32 s10, s6;
	s4 =	smax.u32 s31, $0x1  }
0xb: {  	s7 =	sadd.s32 s8, s7;
	s10 =	simm.s32 $0x80;
	s5 =	sadd.s32 $0x25C00, s6  }
0xc: {  	s6 =	sadd.s32 $0x5C00, s6;
	s8 =	sadd.s32 $0x86400, s11;
	s11 =	simm.s32 $0x1  }
.LBB2_1:
0xd: {  	s13 =	sadd.s32 $0x0, s8  }
0xe: {  	[tilespmem:s2], [sflag:$0x2] =	stream.linear.gather [hbm4b:s13+s2], $0x80, $0x38;
	[tilespmem:$0x2080] =	vst v63  }
0xf: {  	_ =	swait.ge [sflag:s9], $0x80  }
0x10: {  	[sflag:s9] =	ssyncset.done $0x0  }
0x11: {  	[sflag:s9] =	ssyncadd.s32 $0xFFFFFF80  }
0x12: {  	[tilespmem:s10], [sflag:$0x1] =	stream.indirect.gather [hbm4b:s3+s10], $0x40, s2, s10, $0xb8;
	[tilespmem:$0x2080] =	vst v63  }
0x13: {  	_ =	swait.ge [sflag:s11], $0x2000  }
0x14: {  	[sflag:s11] =	ssyncset.done $0x0  }
0x15: {  	[sflag:s11] =	ssyncadd.s32 $0xFFFFE000  }
0x16: {  	[hbm4b:s6+s2] =	stream.linear.scatter [tilespmem:s10], [sflag:$0x2], $0x2000, $0x38;
	[tilespmem:$0x2080] =	vst v63  }
0x17: {  	_ =	swait.ge [sflag:s9], $0x2000  }
0x18: {  	[sflag:s9] =	ssyncset.done $0x0  }
0x19: {  	s31 =	sadd.s32 $0x0, s7;
	[sflag:s9] =	ssyncadd.s32 $0xFFFFE000  }
0x1a: {  	[tilespmem:s2], [sflag:$0x2] =	stream.linear.gather [hbm4b:s31+s2], $0x80, $0x38;
	[tilespmem:$0x2080] =	vst v63  }
0x1b: {  	_ =	swait.ge [sflag:s9], $0x80  }
0x1c: {  	[sflag:s9] =	ssyncset.done $0x0  }
0x1d: {  	[sflag:s9] =	ssyncadd.s32 $0xFFFFFF80  }
0x1e: {  	[tilespmem:s10], [sflag:$0x1] =	stream.indirect.gather [hbm4b:s3+s10], $0x40, s2, s10, $0xb8;
	[tilespmem:$0x2080] =	vst v63  }
0x1f: {  	_ =	swait.ge [sflag:s11], $0x2000  }
0x20: {  	[sflag:s11] =	ssyncset.done $0x0  }
0x21: {  	[sflag:s11] =	ssyncadd.s32 $0xFFFFE000  }
0x22: {  	[hbm4b:s5+s2] =	stream.linear.scatter [tilespmem:s10], [sflag:$0x2], $0x2000, $0x38;
	[tilespmem:$0x2080] =	vst v63  }
0x23: {  	s14 =	simm.s32 $0x10;
	s16 =	simm.s32 $0x20;
	_ =	swait.ge [sflag:s9], $0x2000  }
0x24: {  	s15 =	sadd.s32 $0x400, s6;
	s13 =	sadd.s32 $0x400, s5;
	[sflag:s9] =	ssyncset.done $0x0  }
.LBB2_2:
0x25: {  	s17 =	sadd.s32 s14, s8  }
0x26: {  	[sflag:s9] =	ssyncadd.s32 $0xFFFFE000;
	s18 =	smov.u32 s16;
	s19 =	sadd.s32 $0x10, s16  }
0x27: {  	[tilespmem:s2], [sflag:$0x2] =	stream.linear.gather [hbm4b:s17+s2], $0x80, $0x38;
	[tilespmem:$0x2080] =	vst v63  }
0x28: {  	p0 =	sne.s32 s16, $0x30;
	_ =	swait.ge [sflag:s9], $0x80  }
0x29: {  	[sflag:s9] =	ssyncset.done $0x0  }
0x2a: {  	[sflag:s9] =	ssyncadd.s32 $0xFFFFFF80  }
0x2b: {  	[tilespmem:s10], [sflag:$0x1] =	stream.indirect.gather [hbm4b:s3+s10], $0x40, s2, s10, $0xb8;
	[tilespmem:$0x2080] =	vst v63  }
0x2c: {  	_ =	swait.ge [sflag:s11], $0x2000  }
0x2d: {  	[sflag:s11] =	ssyncset.done $0x0  }
0x2e: {  	[sflag:s11] =	ssyncadd.s32 $0xFFFFE000  }
0x2f: {  	[hbm4b:s15+s2] =	stream.linear.scatter [tilespmem:s10], [sflag:$0x2], $0x2000, $0x38;
	[tilespmem:$0x2080] =	vst v63  }
0x30: {  	_ =	swait.ge [sflag:s9], $0x2000  }
0x31: {  	[sflag:s9] =	ssyncset.done $0x0  }
0x32: {  	s16 =	sadd.s32 s14, s7;
	s14 =	smov.u32 s18;
	[sflag:s9] =	ssyncadd.s32 $0xFFFFE000  }
0x33: {  	[tilespmem:s2], [sflag:$0x2] =	stream.linear.gather [hbm4b:s16+s2], $0x80, $0x38;
	[tilespmem:$0x2080] =	vst v63  }
0x34: {  	_ =	swait.ge [sflag:s9], $0x80  }
0x35: {  	[sflag:s9] =	ssyncset.done $0x0  }
0x36: {  	[sflag:s9] =	ssyncadd.s32 $0xFFFFFF80  }
0x37: {  	[tilespmem:s10], [sflag:$0x1] =	stream.indirect.gather [hbm4b:s3+s10], $0x40, s2, s10, $0xb8;
	[tilespmem:$0x2080] =	vst v63  }
0x38: {  	_ =	swait.ge [sflag:s11], $0x2000  }
.Ltmp0:
0x39: {  	[sflag:s11] =	ssyncset.done $0x0;
	(pc) =	sbr.rel @p0 .LBB2_2-.Ltmp0, $4  }
0x3a: {  	[sflag:s11] =	ssyncadd.s32 $0xFFFFE000  }
0x3b: {  	[hbm4b:s13+s2] =	stream.linear.scatter [tilespmem:s10], [sflag:$0x2], $0x2000, $0x38;
	[tilespmem:$0x2080] =	vst v63  }
0x3c: {  	s15 =	sadd.s32 $0x400, s15;
	_ =	swait.ge [sflag:s9], $0x2000  }
0x3d: {  	s16 =	smov.u32 s19;
	s13 =	sadd.s32 $0x400, s13;
	[sflag:s9] =	ssyncset.done $0x0  }
0x3e: {  	s16 =	sadd.s32 s14, s8;
	[sflag:s9] =	ssyncadd.s32 $0xFFFFE000  }
0x3f: {  	[tilespmem:s2], [sflag:$0x2] =	stream.linear.gather [hbm4b:s16+s2], $0x80, $0x38;
	[tilespmem:$0x2080] =	vst v63  }
0x40: {  	_ =	swait.ge [sflag:s9], $0x80  }
0x41: {  	[sflag:s9] =	ssyncset.done $0x0  }
0x42: {  	[sflag:s9] =	ssyncadd.s32 $0xFFFFFF80  }
0x43: {  	[tilespmem:s10], [sflag:$0x1] =	stream.indirect.gather [hbm4b:s3+s10], $0x40, s2, s10, $0xb8;
	[tilespmem:$0x2080] =	vst v63  }
0x44: {  	_ =	swait.ge [sflag:s11], $0x2000  }
0x45: {  	[sflag:s11] =	ssyncset.done $0x0  }
0x46: {  	[sflag:s11] =	ssyncadd.s32 $0xFFFFE000  }
0x47: {  	[hbm4b:s15+s2] =	stream.linear.scatter [tilespmem:s10], [sflag:$0x2], $0x2000, $0x38;
	[tilespmem:$0x2080] =	vst v63  }
0x48: {  	_ =	swait.ge [sflag:s9], $0x2000  }
0x49: {  	[sflag:s9] =	ssyncset.done $0x0  }
0x4a: {  	s31 =	sadd.s32 s14, s7;
	[sflag:s9] =	ssyncadd.s32 $0xFFFFE000  }
0x4b: {  	[tilespmem:s2], [sflag:$0x2] =	stream.linear.gather [hbm4b:s31+s2], $0x80, $0x38;
	[tilespmem:$0x2080] =	vst v63  }
0x4c: {  	_ =	swait.ge [sflag:s9], $0x80  }
0x4d: {  	[sflag:s9] =	ssyncset.done $0x0  }
0x4e: {  	[sflag:s9] =	ssyncadd.s32 $0xFFFFFF80  }
0x4f: {  	[tilespmem:s10], [sflag:$0x1] =	stream.indirect.gather [hbm4b:s3+s10], $0x40, s2, s10, $0xb8;
	[tilespmem:$0x2080] =	vst v63  }
0x50: {  	s12 =	sadd.s32 $0x1, s12;
	_ =	swait.ge [sflag:s11], $0x2000  }
0x51: {  	p0 =	sne.s32 s12, s4;
	[sflag:s11] =	ssyncset.done $0x0  }
.Ltmp1:
0x52: {  	[sflag:s11] =	ssyncadd.s32 $0xFFFFE000;
	(pc) =	sbr.rel @p0 .LBB2_1-.Ltmp1, $4  }
0x53: {  	[hbm4b:s13+s2] =	stream.linear.scatter [tilespmem:s10], [sflag:$0x2], $0x2000, $0x38;
	[tilespmem:$0x2080] =	vst v63  }
0x54: {  	_ =	swait.ge [sflag:s9], $0x2000  }
0x55: {  	[sflag:s9] =	ssyncset.done $0x0  }
0x56: {  	[sflag:s9] =	ssyncadd.s32 $0xFFFFE000  }
0x57: {  	_ =	sfence.sel $0x180000  }
0x58: {  	[bflag:$0x0] =	sbarrier.arrive $0xFFFF  }
0x59: {  	p0 =	sne.s32 s1, $0x0;
	_ =	strace $0x9000004D  }
0x5a: {  	s0 =	sadd.s32 @!p0 $0x100000, s0;
	[bflag:$0x2] =	sbarrier.arrive $0xFFFF  }
0x5b: {  	[sflag:s0] =	ssyncadd.tile.s32 @!p0 $0x1;
	_ =	shalt  }
.Lfunc_end2:
_tile_overlayer_lowered:
.L_overlay_start_2:
0x5c: {  	(tag) =	ssettag $0x2  }
0x5d: {  	s0 =	rddreg [dreg:$0x0];
	s2 =	stileid.u32  }
0x5e: {  	s1 =	rddreg [dreg:$0x1];
	p0 =	sne.s32 s2, $0x0  }
0x5f: {  	s3 =	rddreg [dreg:$0x2];
	[bflag:$0x3] =	sbarrier.arrive $0xFFFF;
	s2 =	simm.s32 @!p0 $0x1C02  }
0x60: {  	[timem:s3], [sflag:s2] =	dma.local @!p0 [hbm:s0], s1  }
0x61: {  	s0 =	simm.s32 @!p0 $0x2  }
0x62: {  	_ =	swait.ge @!p0 [sflag:s0], s1  }
0x63: {  	s1 =	ssub.s32 @!p0 $0x0, s1;
	[sflag:s0] =	ssyncset.done @!p0 $0x0  }
0x64: {  	[sflag:s0] =	ssyncadd.s32 @!p0 s1  }
0x65: {  	[bflag:$0x3] =	sbarrier.arrive $0xFFFF  }
0x66: {  	_ =	shalt  }

// kernel: kernel.9.cloned.1.call-start
scs
__scs_entry_jumppad:
0x0: {  	(pc) =	sbr.rel $0x88, $3  }
0x1: {  	(tag) =	ssettag $0x0;
	lr =	simm.s32 $0x1  }
0x2: {  	[smem:$0x3F92] =	sst lr;
	_ =	strace $0xD0000000  }
0x3: {  	_ = 	snop  }
0x4: {  	_ = 	snop  }
0x5: {  	_ = 	snop  }
0x6: {  	_ = 	snop  }
0x7: {  	_ = 	snop  }
__scs_overlays_trampoline_lowered:
0x8: {  	[smem:$0x3FA1] =	sst s0  }
0x9: {  	[smem:$0x3FA2] =	sst s1  }
0xa: {  	[smem:$0x3FA3] =	sst s2  }
0xb: {  	[smem:$0x3FA4] =	sst s3  }
0xc: {  	[smem:$0x3FA5] =	sst s4  }
0xd: {  	[smem:$0x3FA6] =	sst s5  }
0xe: {  	[smem:$0x3FA7] =	sst s6  }
0xf: {  	[smem:$0x3FA8] =	sst s7  }
0x10: {  	[smem:$0x3FA9] =	sst s8  }
0x11: {  	[smem:$0x3FAA] =	sst s9;
	s0 =	simm.s32 @!p0 $0x0  }
0x12: {  	s1 =	sld [smem:$0x3F90];
	s0 =	simm.s32 @p0 $0x1  }
0x13: {  	[smem:$0x3FAB] =	sst s0;
	s0 =	simm.s32 @!p1 $0x0  }
0x14: {  	s2 =	sld [smem:$0x3F8F];
	s0 =	simm.s32 @p1 $0x1  }
0x15: {  	[smem:$0x3FAC] =	sst s0;
	s0 =	simm.s32 @!p2 $0x0  }
0x16: {  	s3 =	sld [smem:$0x3FDB];
	s0 =	simm.s32 @p2 $0x1  }
0x17: {  	s4 =	simm.s32 $0x1BF5;
	[smem:$0x3FAE] =	sst s0  }
0x18: {  	s0 =	sld [smem:$0x3F91];
	_ =	swait.ge [sflag:s4], $0x0  }
0x19: {  	s7 =	sld [smem:$0x3F92]  }
0x1a: {  	s8 =	sadd.s32 $0xFFFFE003, lr  }
0x1b: {  	s9 =	sadd.s32 $0xFFFFFEF7, lr;
	s5 =	simm.s32 $0xFFFFFFFF;
	p2 =	slt.u32 s8, $0xFFFFF086  }
0x1c: {  	p1 =	slt.u32 s9, $0xF7A;
	s5 =	simm.s32 @!p2 $0x0  }
0x1d: {  	s5 =	simm.s32 @p1 $0x1;
	p0 =	seq.s32 s7, s2  }
0x1e: {  	s7 =	smul.u32 @!p0 $0xF7A, s2;
	p2 =	seq.s32 @!p0 s5, $0x0  }
0x1f: {  	s9 =	smul.u32 $0xF7A, s1;
	s8 =	simm.s32 @!p0 $0x1BF5;
	p2 =	por !p2, p0  }
0x20: {  	[sflag:s8] =	ssyncset.s32 @!p0 $0xFFFFF086;
	s6 =	sadd.s32 @!p0 s3, s7;
	s7 =	simm.s32 @!p0 $0x108  }
0x21: {  	s3 =	sadd.s32 s3, s9;
	s6 =	sadd.s32 @!p0 $0x88, s6;
	s7 =	simm.s32 @p2 $0x1082  }
0x22: {  	[simem:s7], [sflag:s8] =	dma.local @!p0 [hbm:s6], $0xF7A  }
0x23: {  	s9 =	sor.u32 $0xD0000000, s2;
	s6 =	simm.s32 $0x108;
	_ =	swait.ge @!p0 [sflag:s8], $0x0  }
0x24: {  	s3 =	sadd.s32 $0x88, s3;
	s6 =	simm.s32 @!p1 $0x1082;
	[sflag:s4] =	ssyncset.s32 $0xFFFFF086  }
0x25: {  	[simem:s6], [sflag:s4] =	dma.local [hbm:s3], $0xF7A  }
0x26: {  	[smem:$0x3F92] =	sst s1;
	(tag) =	ssettag s2;
	_ =	strace s9  }
0x27: {  	s1 =	sld [smem:$0x3FA2]  }
0x28: {  	s2 =	sld [smem:$0x3FA3]  }
0x29: {  	s4 =	sld [smem:$0x3FA5]  }
0x2a: {  	p0 =	seq.s32 s5, $0x0;
	s5 =	sld [smem:$0x3FA6]  }
0x2b: {  	s6 =	sld [smem:$0x3FA7]  }
0x2c: {  	s7 =	sld [smem:$0x3FA8]  }
0x2d: {  	s3 =	simm.s32 $0x108;
	s8 =	sld [smem:$0x3FA9]  }
0x2e: {  	s3 =	simm.s32 @!p0 $0x1082;
	s9 =	sld [smem:$0x3FAA]  }
0x2f: {  	lr =	sadd.s32 s0, s3;
	s0 =	sld [smem:$0x3FA1]  }
0x30: {  	s3 =	sld [smem:$0x3FA4]  }
0x31: {  	[smem:$0x3FAD] =	sst s10  }
0x32: {  	s10 =	sld [smem:$0x3FAB];
	_ =	sdelay $0x3  }
0x33: {  	p0 =	seq.s32 s10, $0x1;
	s10 =	sld [smem:$0x3FAD];
	_ =	sdelay $0x3  }
0x34: {  	[smem:$0x3FAD] =	sst s10  }
0x35: {  	s10 =	sld [smem:$0x3FAC];
	_ =	sdelay $0x3  }
0x36: {  	p1 =	seq.s32 s10, $0x1;
	s10 =	sld [smem:$0x3FAD];
	_ =	sdelay $0x3  }
0x37: {  	[smem:$0x3FAD] =	sst s10  }
0x38: {  	s10 =	sld [smem:$0x3FAE]  }
0x39: {  	_ = 	snop;
	(pc) =	sbr.ind lr, $3  }
0x3a: {  	_ = 	snop  }
0x3b: {  	_ = 	snop  }
0x3c: {  	p2 =	seq.s32 s10, $0x1;
	s10 =	sld [smem:$0x3FAD]  }
0x3d: {  	_ =	shalt  }
0x3e: {  	_ =	shalt  }
0x3f: {  	_ =	shalt  }
0x40: {  	_ =	shalt  }
0x41: {  	_ =	shalt  }
0x42: {  	_ =	shalt  }
0x43: {  	_ =	shalt  }
0x44: {  	_ =	shalt  }
0x45: {  	_ =	shalt  }
0x46: {  	_ =	shalt  }
0x47: {  	_ =	shalt  }
0x48: {  	_ =	shalt  }
0x49: {  	_ =	shalt  }
0x4a: {  	_ =	shalt  }
0x4b: {  	_ =	shalt  }
0x4c: {  	_ =	shalt  }
0x4d: {  	_ =	shalt  }
0x4e: {  	_ =	shalt  }
0x4f: {  	_ =	shalt  }
0x50: {  	_ =	shalt  }
0x51: {  	_ =	shalt  }
0x52: {  	_ =	shalt  }
0x53: {  	_ =	shalt  }
0x54: {  	_ =	shalt  }
0x55: {  	_ =	shalt  }
0x56: {  	_ =	shalt  }
0x57: {  	_ =	shalt  }
0x58: {  	_ =	shalt  }
0x59: {  	_ =	shalt  }
0x5a: {  	_ =	shalt  }
0x5b: {  	_ =	shalt  }
0x5c: {  	_ =	shalt  }
0x5d: {  	_ =	shalt  }
0x5e: {  	_ =	shalt  }
0x5f: {  	_ =	shalt  }
0x60: {  	_ =	shalt  }
0x61: {  	_ =	shalt  }
0x62: {  	_ =	shalt  }
0x63: {  	_ =	shalt  }
0x64: {  	_ =	shalt  }
0x65: {  	_ =	shalt  }
0x66: {  	_ =	shalt  }
0x67: {  	_ =	shalt  }
0x68: {  	_ =	shalt  }
0x69: {  	_ =	shalt  }
0x6a: {  	_ =	shalt  }
0x6b: {  	_ =	shalt  }
0x6c: {  	_ =	shalt  }
0x6d: {  	_ =	shalt  }
0x6e: {  	_ =	shalt  }
0x6f: {  	_ =	shalt  }
0x70: {  	_ =	shalt  }
0x71: {  	_ =	shalt  }
0x72: {  	_ =	shalt  }
0x73: {  	_ =	shalt  }
0x74: {  	_ =	shalt  }
0x75: {  	_ =	shalt  }
0x76: {  	_ =	shalt  }
0x77: {  	_ =	shalt  }
0x78: {  	_ =	shalt  }
0x79: {  	_ =	shalt  }
0x7a: {  	_ =	shalt  }
0x7b: {  	_ =	shalt  }
0x7c: {  	_ =	shalt  }
0x7d: {  	_ =	shalt  }
0x7e: {  	_ =	shalt  }
0x7f: {  	_ =	shalt  }
0x80: {  	_ =	shalt  }
0x81: {  	_ =	shalt  }
0x82: {  	_ =	shalt  }
0x83: {  	_ =	shalt  }
0x84: {  	_ =	shalt  }
0x85: {  	_ =	shalt  }
0x86: {  	_ =	shalt  }
0x87: {  	_ =	shalt  }
.Lfunc_end0:
.L_simem_size_0:
called_computation_lowered:
.L_overlay_start_0:
0x88: {  	s2 =	sld [smem:$0x3FD9]  }
0x89: {  	s3 =	sld [smem:$0x3FFE];
	_ =	sdelay $0x1  }
0x8a: {  	s1 =	srdreg.scid  }
0x8b: {  	s0 =	sand.u32 $0x1, s1  }
0x8c: {  	s14 =	sshll.u32 s0, $0xA;
	s2 =	sadd.s32 s3, s2  }
0x8d: {  	s2 =	sadd.s32 s2, s14  }
0x8e: {  	[smem:$0x3FB9] =	sst s2  }
0x8f: {  	_ = 	snop  }
0x90: {  	s2 =	sld [smem:$0x3FD0];
	_ =	sdelay $0x2  }
0x91: {  	s15 =	simm.s32 $0xA;
	s4 =	simm.s32 $0x10  }
0x92: {  	[smem:s4], [sflag:s15] =	dma.local [hbm:s2], $0x1  }
0x93: {  	_ =	swait.eq [sflag:s15], $0x1  }
0x94: {  	[sflag:s15] =	ssyncset.done $0x0  }
0x95: {  	[sflag:s15] =	ssyncadd.s32 $0xFFFFFFFF  }
0x96: {  	s16 =	sld [smem:$0x10];
	(tm) =	ssettm $0x1  }
0x97: {  	s17 =	sld [smem:$0x3FFB];
	_ =	sdelay $0x3  }
0x98: {  	_ =	strace s17  }
0x99: {  	s3 =	sld [smem:$0x3FFC];
	_ =	sdelay $0x3  }
0x9a: {  	_ =	strace s3  }
0x9b: {  	s3 =	sld [smem:$0x3FFD];
	_ =	sdelay $0x3  }
0x9c: {  	_ =	strace s3  }
0x9d: {  	_ =	strace $0x8FFFFFFF  }
0x9e: {  	s18 =	sld [smem:$0x3FDB];
	_ =	sdelay $0x1  }
0x9f: {  	s19 =	simm.s32 $_scs_section_size  }
0xa0: {  	s5 =	simm.s32 $_size__tile_overlayer_lowered;
	s6 =	simm.s32 $_tile_overlayer_lowered  }
0xa1: {  	s22 =	simm.s32 $0x1BFF;
	s21 =	sshll.u32 s6, $0x1;
	s3 =	sadd.s32 s19, s18  }
0xa2: {  	s7 =	simm.s32 $0x0;
	s20 =	sshll.u32 s5, $0x1;
	s5 =	sadd.s32 s21, s3  }
0xa3: {  	[timem:s7], [sflag:s22] =	dma.local [hbm:s5], s20  }
0xa4: {  	_ =	swait.ge [sflag:s22], s20  }
0xa5: {  	s4 =	ssub.s32 $0x0, s20;
	[sflag:s22] =	ssyncset.done $0x0  }
0xa6: {  	[sflag:s22] =	ssyncadd.s32 s4;
	_ =	sdelay $0x1  }
0xa7: {  	s23 =	simm.s32 $0x1B8B  }
0xa8: {  	_ =	swait.ge [sflag:s23], $0x1  }
0xa9: {  	[sflag:s23] =	ssyncset.done $0x0  }
0xaa: {  	s25 =	simm.s32 $0x1B8E;
	s24 =	sld [smem:$0x3FFE];
	[sflag:s23] =	ssyncadd.s32 $0xFFFFFFFF  }
0xab: {  	s26 =	simm.s32 $execute0_lowered;
	[smem:$0x3FD2] =	sst s25  }
0xac: {  	s5 =	sshll.u32 s26, $0x1;
	_ =	strace $0x80000046;
	[dreg:$0x1] =	wrdreg $0xFFFFFFFF  }
0xad: {  	s28 =	simm.s32 $_size_execute0_lowered;
	s3 =	sadd.s32 s3, s5;
	[dreg:$0x0] =	wrdreg $0x0  }
0xae: {  	s5 =	sshll.u32 s28, $0x1;
	[dreg:$0x2] =	wrdreg s3  }
0xaf: {  	[dreg:$0x3] =	wrdreg s5  }
0xb0: {  	[dreg:$0x4] =	wrdreg $0xC0  }
0xb1: {  	_ =	task [dreg:s7], $0x5FFFF  }
0xb2: {  	[dreg:$0x1] =	wrdreg $0xFFFFFFFF  }
0xb3: {  	[dreg:$0x0] =	wrdreg $0x60  }
0xb4: {  	[dreg:$0x2] =	wrdreg s24  }
0xb5: {  	[dreg:$0x3] =	wrdreg s16  }
0xb6: {  	[dreg:$0x4] =	wrdreg $0x23400  }
0xb7: {  	[dreg:$0x5] =	wrdreg $0x9  }
0xb8: {  	_ =	task.clear_ibuf [dreg:s7], $0x6FFFF;
	_ =	strace $0x90000046  }
0xb9: {  	s29 =	simm.s32 $0x9;
	_ =	strace $0x80000048  }
0xba: {  	_ =	swait.ge [sflag:s29], $0x1  }
0xbb: {  	[sflag:s29] =	ssyncadd.s32 $0xFFFFFFFF  }
0xbc: {  	_ =	strace $0x90000048  }
0xbd: {  	_ =	sfence  }
0xbe: {  	s30 =	sld [smem:$0x0];
	_ =	sdelay $0x2  }
0xbf: {  	s31 =	sshll.u32 s1, $0xD;
	s1 =	sshrl.u32 s1, $0x2  }
0xc0: {  	s3 =	sand.u32 $0x4000, s31;
	s1 =	sadd.s32 s1, s30  }
0xc1: {  	s0 =	sor.u32 s3, s0;
	s1 =	sshll.u32 s1, $0x11  }
0xc2: {  	s0 =	sor.u32 s1, s0  }
0xc3: {  	s0 =	sadd.s32 $0x8F2B, s0  }
0xc4: {  	[sflag:s0] =	ssyncadd.remote.s32 $0x1  }
0xc5: {  	_ =	sfence.sel $0xFFFF  }
0xc6: {  	[dreg:$0x0] =	wrdreg $0xFFFFFFFF;
	(pc) =	sbr.abs _section_cstart, $3  }
0xc7: {  	[dreg:$0x1] =	wrdreg $0xFFFFFFFF  }
0xc8: {  	_ =	task.clear_ibuf [dreg:s7], $0x2FFFF;
	_ =	strace $0x9FFFFFFF  }
0xc9: {  	(tm) =	ssettm $0x7FFFFFFF  }
tec
execute0_lowered:
.L_overlay_start_1:
0x0: {  	(tag) =	ssettag $0x1  }
0x1: {  	s5 =	rddreg [dreg:$0x0]  }
0x2: {  	s0 =	rddreg [dreg:$0x1];
	s1 =	srdreg.scid  }
0x3: {  	s2 =	rddreg [dreg:$0x2];
	s8 =	stileid.u32  }
0x4: {  	s3 =	simm.s32 $0x0;
	s16 =	simm.s32 $0x0;
	s4 =	smul.u32 $0x620, s8  }
0x5: {  	s6 =	sand.u32 $0x1, s1;
	s1 =	rddreg [dreg:$0x3];
	s7 =	smul.u32 $0x1870, s8  }
0x6: {  	[smem:$0x7FF] =	sst s3;
	s10 =	smul.u32 $0x62000, s8;
	s12 =	sshll.u32 s8, $0x6  }
0x7: {  	p0 =	sne.s32 s8, $0x0;
	s11 =	smul.u32 $0x6200, s6;
	s30 =	ssub.s32 $0x2, s6  }
0x8: {  	_ =	strace $0x80000047;
	s7 =	sadd.s32 s7, s5;
	s6 =	sshrl.u32 s30, $0x1  }
0x9: {  	s10 =	sshrl.u32 s10, $0x2;
	s9 =	sadd.s32 s4, s11;
	s4 =	sadd.s32 $0x1C00, s5  }
0xa: {  	s13 =	ssub.s32 s30, s6;
	s10 =	sadd.s32 s10, s2;
	s14 =	sadd.s32 $0x6200, s11  }
0xb: {  	s15 =	sadd.s32 $0x7C400, s7;
	s31 =	sadd.s32 $0x63C00, s7;
	v0 =	vmov s11;
	s11 =	simm.s32 $0x80  }
0xc: {  	s9 =	sshll.u32 s9, $0x3;
	[dreg:$0x5] =	wrdreg s15;
	s7 =	smax.u32 s13, $0x1  }
0xd: {  	[dreg:$0x4] =	wrdreg s31;
	s8 =	sshrl.u32 s10, $0x3;
	s13 =	simm.s32 $0x220  }
0xe: {  	v1 =	vmov s14;
	s14 =	simm.s32 $0x340;
	s15 =	simm.s32 $0x1;
	s9 =	sadd.s32 s9, s5  }
0xf: {  	v3 =	vlaneseq.u32;
	s5 =	sor.u32 $0x1C02, s12;
	s12 =	sadd.s32 $0x188000, s2;
	s6 =	sadd.s32 $0x189C00, s9  }
0x10: {  	v2 =	vimm.s32 $0x0;
	v4 =	vimm.s32 $0x6200;
	v3 =	vor.u32 $0x100, v3;
	s9 =	simm.s32 $0x2;
	s10 =	sshrl.u32 @!p0 s12, $0x3;
	s12 =	simm.s32 $0x100  }
.LBB2_1:
0x11: {  	[spmem:s8], [sflag:s5] =	dma.local [hbm:s0], $0x3100  }
0x12: {  	_ =	swait.ge [sflag:s9], $0x3100  }
0x13: {  	[sflag:s9] =	ssyncset.done $0x0  }
0x14: {  	s17 =	simm.s32 @!p0 $0x2;
	[sflag:s9] =	ssyncadd.s32 $0xFFFFCF00  }
0x15: {  	[spmem:s10], [sflag:s5] =	dma.local @!p0 [hbm:s0], $0x40  }
0x16: {  	_ =	swait.ge @!p0 [sflag:s17], $0x40  }
0x17: {  	[sflag:s17] =	ssyncset.done @!p0 $0x0  }
0x18: {  	[sflag:s17] =	ssyncadd.s32 @!p0 $0xFFFFFFC0  }
0x19: {  	s18 =	simm.s32 $0x0;
	s17 =	simm.s32 $0x0;
	[bflag:$0x0] =	sbarrier.arrive $0xFFFF  }
.LBB2_2:
0x1a: {  	s19 =	rddreg [dreg:$0x4]  }
0x1b: {  	s19 =	sadd.s32 s17, s19  }
0x1c: {  	[tilespmem:s3], [sflag:$0x2] =	stream.linear.gather [hbm4b:s19+s3], $0x80, $0x38;
	[tilespmem:$0x1AB60] =	vst v63  }
0x1d: {  	_ =	swait.ge [sflag:s9], $0x80  }
0x1e: {  	s21 =	rddreg [dreg:$0x5];
	[sflag:s9] =	ssyncset.done $0x0  }
0x1f: {  	[sflag:s9] =	ssyncadd.s32 $0xFFFFFF80;
	s19 =	sadd.s32 s17, s21  }
0x20: {  	[tilespmem:s11], [sflag:$0x2] =	stream.linear.gather [hbm4b:s19+s3], $0x80, $0x38;
	[tilespmem:$0x1AB60] =	vst v63  }
0x21: {  	_ =	swait.ge [sflag:s9], $0x80  }
0x22: {  	[sflag:s9] =	ssyncset.done $0x0  }
0x23: {  	[sflag:s9] =	ssyncadd.s32 $0xFFFFFF80  }
0x24: {  	v5 =	vld [tilespmem:$0x80];
	_ =	sdelay $0x4  }
0x25: {  	vm0 =	vge.s32 v5, v0;
	vm1 =	vlt.s32 v5, v1  }
0x26: {  	vm0 =	vmand vm0, vm1  }
0x27: {  	v6 =	vsel vm0, $0x1, v2  }
0x28: {  	(xrf0) =	vadd.scan.msk.s32 $0xffff, v6;
	_ =	sdelay $0x2  }
0x29: {  	v6 =	vmov s18  }
0x2a: {  	v6 =	vadd.s32 $0xFFFFFFFF, v6  }
0x2b: {  	v6 =	vbroadcast v6, $0x0  }
0x2c: {  	v7, _, _ =	vpop (xrf0)  }
0x2d: {  	v6 =	vadd.s32 v7, v6  }
0x2e: {  	v8 =	vld [tilespmem:$0x0];
	v6 =	vsel vm0, v6, v3  }
0x2f: {  	(v2sf) =	vpush v7, $0xF;
	_ =	sdelay $0x3  }
0x30: {  	v5 =	vsub.s32 v5, v0;
	[tilespmem:v6+s12+$0x0] =	vst.idx.msk $0xffff, v8  }
0x31: {  	[tilespmem:v6+s13+$0x0] =	vst.idx.msk $0xffff, v5  }
0x32: {  	v5 =	vld [tilespmem:$0x90];
	_ =	sdelay $0x4  }
0x33: {  	vm14 =	vge.s32 v5, v0;
	vm15 =	vlt.s32 v5, v1  }
0x34: {  	vm0 =	vmand vm14, vm15  }
0x35: {  	v6 =	vsel vm0, $0x1, v2  }
0x36: {  	(xrf0) =	vadd.scan.msk.s32 $0xffff, v6  }
0x37: {  	s22 =	spop (v2sf)  }
0x38: {  	s23 =	sadd.s32 s18, s22  }
0x39: {  	v6 =	vmov s23  }
0x3a: {  	v6 =	vadd.s32 $0xFFFFFFFF, v6  }
0x3b: {  	v6 =	vbroadcast v6, $0x0  }
0x3c: {  	v7, _, _ =	vpop (xrf0)  }
0x3d: {  	v6 =	vadd.s32 v7, v6  }
0x3e: {  	v8 =	vld [tilespmem:$0x10];
	v6 =	vsel vm0, v6, v3  }
0x3f: {  	(v2sf) =	vpush v7, $0xF;
	_ =	sdelay $0x3  }
0x40: {  	v5 =	vsub.s32 v5, v0;
	[tilespmem:v6+s12+$0x0] =	vst.idx.msk $0xffff, v8  }
0x41: {  	[tilespmem:v6+s13+$0x0] =	vst.idx.msk $0xffff, v5  }
0x42: {  	v5 =	vld [tilespmem:$0xA0];
	_ =	sdelay $0x4  }
0x43: {  	vm4 =	vge.s32 v5, v0;
	vm5 =	vlt.s32 v5, v1  }
0x44: {  	vm0 =	vmand vm4, vm5  }
0x45: {  	v6 =	vsel vm0, $0x1, v2  }
0x46: {  	(xrf0) =	vadd.scan.msk.s32 $0xffff, v6  }
0x47: {  	s24 =	spop (v2sf)  }
0x48: {  	s18 =	sadd.s32 s23, s24  }
0x49: {  	v6 =	vmov s18  }
0x4a: {  	v6 =	vadd.s32 $0xFFFFFFFF, v6  }
0x4b: {  	v6 =	vbroadcast v6, $0x0  }
0x4c: {  	v7, _, _ =	vpop (xrf0)  }
0x4d: {  	v6 =	vadd.s32 v7, v6  }
0x4e: {  	v8 =	vld [tilespmem:$0x20];
	v6 =	vsel vm0, v6, v3  }
0x4f: {  	(v2sf) =	vpush v7, $0xF;
	_ =	sdelay $0x3  }
0x50: {  	v5 =	vsub.s32 v5, v0;
	[tilespmem:v6+s12+$0x0] =	vst.idx.msk $0xffff, v8  }
0x51: {  	[tilespmem:v6+s13+$0x0] =	vst.idx.msk $0xffff, v5  }
0x52: {  	v5 =	vld [tilespmem:$0xB0];
	_ =	sdelay $0x4  }
0x53: {  	vm6 =	vge.s32 v5, v0;
	vm7 =	vlt.s32 v5, v1  }
0x54: {  	vm0 =	vmand vm6, vm7  }
0x55: {  	v6 =	vsel vm0, $0x1, v2  }
0x56: {  	(xrf0) =	vadd.scan.msk.s32 $0xffff, v6  }
0x57: {  	s25 =	spop (v2sf)  }
0x58: {  	s18 =	sadd.s32 s18, s25  }
0x59: {  	v6 =	vmov s18  }
0x5a: {  	v6 =	vadd.s32 $0xFFFFFFFF, v6  }
0x5b: {  	v6 =	vbroadcast v6, $0x0  }
0x5c: {  	v7, _, _ =	vpop (xrf0)  }
0x5d: {  	v6 =	vadd.s32 v7, v6  }
0x5e: {  	v8 =	vld [tilespmem:$0x30];
	v6 =	vsel vm0, v6, v3  }
0x5f: {  	(v2sf) =	vpush v7, $0xF;
	_ =	sdelay $0x3  }
0x60: {  	v5 =	vsub.s32 v5, v0;
	[tilespmem:v6+s12+$0x0] =	vst.idx.msk $0xffff, v8  }
0x61: {  	[tilespmem:v6+s13+$0x0] =	vst.idx.msk $0xffff, v5  }
0x62: {  	v5 =	vld [tilespmem:$0xC0];
	_ =	sdelay $0x4  }
0x63: {  	vm8 =	vge.s32 v5, v0;
	vm9 =	vlt.s32 v5, v1  }
0x64: {  	vm0 =	vmand vm8, vm9  }
0x65: {  	v6 =	vsel vm0, $0x1, v2  }
0x66: {  	(xrf0) =	vadd.scan.msk.s32 $0xffff, v6  }
0x67: {  	s26 =	spop (v2sf)  }
0x68: {  	s18 =	sadd.s32 s18, s26  }
0x69: {  	v6 =	vmov s18  }
0x6a: {  	v6 =	vadd.s32 $0xFFFFFFFF, v6  }
0x6b: {  	v6 =	vbroadcast v6, $0x0  }
0x6c: {  	v7, _, _ =	vpop (xrf0)  }
0x6d: {  	v6 =	vadd.s32 v7, v6  }
0x6e: {  	v8 =	vld [tilespmem:$0x40];
	v6 =	vsel vm0, v6, v3  }
0x6f: {  	(v2sf) =	vpush v7, $0xF;
	_ =	sdelay $0x3  }
0x70: {  	v5 =	vsub.s32 v5, v0;
	[tilespmem:v6+s12+$0x0] =	vst.idx.msk $0xffff, v8  }
0x71: {  	[tilespmem:v6+s13+$0x0] =	vst.idx.msk $0xffff, v5  }
0x72: {  	v5 =	vld [tilespmem:$0xD0];
	_ =	sdelay $0x4  }
0x73: {  	vm10 =	vge.s32 v5, v0;
	vm11 =	vlt.s32 v5, v1  }
0x74: {  	vm0 =	vmand vm10, vm11  }
0x75: {  	v6 =	vsel vm0, $0x1, v2  }
0x76: {  	(xrf0) =	vadd.scan.msk.s32 $0xffff, v6  }
0x77: {  	s28 =	spop (v2sf)  }
0x78: {  	s18 =	sadd.s32 s18, s28  }
0x79: {  	v6 =	vmov s18  }
0x7a: {  	v6 =	vadd.s32 $0xFFFFFFFF, v6  }
0x7b: {  	v6 =	vbroadcast v6, $0x0  }
0x7c: {  	v7, _, _ =	vpop (xrf0)  }
0x7d: {  	v6 =	vadd.s32 v7, v6  }
0x7e: {  	v8 =	vld [tilespmem:$0x50];
	v6 =	vsel vm0, v6, v3  }
0x7f: {  	(v2sf) =	vpush v7, $0xF;
	_ =	sdelay $0x3  }
0x80: {  	v5 =	vsub.s32 v5, v0;
	[tilespmem:v6+s12+$0x0] =	vst.idx.msk $0xffff, v8  }
0x81: {  	[tilespmem:v6+s13+$0x0] =	vst.idx.msk $0xffff, v5  }
0x82: {  	v5 =	vld [tilespmem:$0xE0];
	_ =	sdelay $0x4  }
0x83: {  	vm12 =	vge.s32 v5, v0;
	vm13 =	vlt.s32 v5, v1  }
0x84: {  	vm0 =	vmand vm12, vm13  }
0x85: {  	v6 =	vsel vm0, $0x1, v2  }
0x86: {  	(xrf0) =	vadd.scan.msk.s32 $0xffff, v6  }
0x87: {  	s29 =	spop (v2sf)  }
0x88: {  	s18 =	sadd.s32 s18, s29  }
0x89: {  	v6 =	vmov s18  }
0x8a: {  	v6 =	vadd.s32 $0xFFFFFFFF, v6  }
0x8b: {  	v6 =	vbroadcast v6, $0x0  }
0x8c: {  	v7, _, _ =	vpop (xrf0)  }
0x8d: {  	v6 =	vadd.s32 v7, v6  }
0x8e: {  	v8 =	vld [tilespmem:$0x60];
	v6 =	vsel vm0, v6, v3;
	_ =	sdelay $0x4  }
0x8f: {  	v5 =	vsub.s32 v5, v0;
	[tilespmem:v6+s12+$0x0] =	vst.idx.msk $0xffff, v8  }
0x90: {  	[tilespmem:v6+s13+$0x0] =	vst.idx.msk $0xffff, v5  }
0x91: {  	v5 =	vld [tilespmem:$0xF0];
	_ =	sdelay $0x4  }
0x92: {  	(v2sf) =	vpush v7, $0xF;
	vm14 =	vge.s32 v5, v0;
	vm15 =	vlt.s32 v5, v1  }
0x93: {  	vm0 =	vmand vm14, vm15  }
0x94: {  	v6 =	vsel vm0, $0x1, v2  }
0x95: {  	(xrf0) =	vadd.scan.msk.s32 $0xffff, v6;
	_ =	sdelay $0x5  }
0x96: {  	v6, _, _ =	vpop (xrf0)  }
0x97: {  	(v2sf) =	vpush v6, $0xF;
	_ =	sdelay $0x4  }
0x98: {  	s30 =	spop (v2sf)  }
0x99: {  	s18 =	sadd.s32 s18, s30  }
0x9a: {  	v7 =	vmov s18  }
0x9b: {  	v7 =	vadd.s32 $0xFFFFFFFF, v7  }
0x9c: {  	v7 =	vbroadcast v7, $0x0;
	_ =	sdelay $0x1  }
0x9d: {  	v6 =	vadd.s32 v6, v7  }
0x9e: {  	v7 =	vld [tilespmem:$0x70];
	v6 =	vsel vm0, v6, v3;
	_ =	sdelay $0x2  }
0x9f: {  	s31 =	spop (v2sf)  }
0xa0: {  	s19 =	sadd.s32 s18, s31  }
0xa1: {  	v5 =	vsub.s32 v5, v0;
	[tilespmem:v6+s12+$0x0] =	vst.idx.msk $0xffff, v7;
	p1 =	slt.s32 s19, $0x80  }
0xa2: {  	[tilespmem:v6+s13+$0x0] =	vst.idx.msk $0xffff, v5;
	s18 =	simm.s32 @!p1 $0x80;
	s20 =	simm.s32 @!p1 $0x100;
	s21 =	simm.s32 @!p1 $0x340  }
0xa3: {  	[tilespmem:s21], [sflag:$0x1] =	stream.indirect.gather @!p1 [hbm4b:s4+s18], $0x40, s20, s18, $0xb8;
	[tilespmem:$0x1AB60] =	vst v63  }
0xa4: {  	s20 =	simm.s32 @!p1 $0x1  }
0xa5: {  	_ =	swait.ge @!p1 [sflag:s20], $0x2000  }
0xa6: {  	[sflag:s20] =	ssyncset.done @!p1 $0x0  }
0xa7: {  	[sflag:s20] =	ssyncadd.s32 @!p1 $0xFFFFE000;
	s20 =	simm.s32 @!p1 $0x220  }
0xa8: {  	[spmem:s2] =	stream.indirect.scatter.add.f32 @!p1 [tilespmem:s21], [sflag:$0x2], $0x40, s20, s18, $0xb8;
	[tilespmem:$0x1AB60] =	vst v63  }
0xa9: {  	s18 =	simm.s32 @!p1 $0x2  }
0xaa: {  	_ =	swait.ge @!p1 [sflag:s18], $0x2000  }
0xab: {  	[sflag:s18] =	ssyncset.done @!p1 $0x0  }
0xac: {  	[sflag:s18] =	ssyncadd.s32 @!p1 $0xFFFFE000  }
0xad: {  	v5 =	vld @!p1 [tilespmem:$0x180]  }
0xae: {  	v6 =	vld @!p1 [tilespmem:$0x2A0]  }
0xaf: {  	v7 =	vld @!p1 [tilespmem:$0x190]  }
0xb0: {  	v8 =	vld @!p1 [tilespmem:$0x2B0]  }
0xb1: {  	v9 =	vld @!p1 [tilespmem:$0x1A0]  }
0xb2: {  	[tilespmem:$0x100] =	vst @!p1 v5;
	v5 =	vld @!p1 [tilespmem:$0x2C0]  }
0xb3: {  	[tilespmem:$0x220] =	vst @!p1 v6;
	v6 =	vld @!p1 [tilespmem:$0x1B0]  }
0xb4: {  	[tilespmem:$0x110] =	vst @!p1 v7;
	v7 =	vld @!p1 [tilespmem:$0x2D0]  }
0xb5: {  	[tilespmem:$0x230] =	vst @!p1 v8;
	v8 =	vld @!p1 [tilespmem:$0x1C0]  }
0xb6: {  	[tilespmem:$0x120] =	vst @!p1 v9;
	v9 =	vld @!p1 [tilespmem:$0x2E0]  }
0xb7: {  	[tilespmem:$0x240] =	vst @!p1 v5;
	v5 =	vld @!p1 [tilespmem:$0x1D0]  }
0xb8: {  	[tilespmem:$0x130] =	vst @!p1 v6;
	v6 =	vld @!p1 [tilespmem:$0x2F0]  }
0xb9: {  	[tilespmem:$0x250] =	vst @!p1 v7;
	v7 =	vld @!p1 [tilespmem:$0x1E0]  }
0xba: {  	[tilespmem:$0x140] =	vst @!p1 v8;
	v8 =	vld @!p1 [tilespmem:$0x300]  }
0xbb: {  	s17 =	sadd.s32 $0x10, s17;
	[tilespmem:$0x260] =	vst @!p1 v9;
	v9 =	vld @!p1 [tilespmem:$0x1F0]  }
0xbc: {  	p2 =	sne.s32 s17, $0x1870;
	[tilespmem:$0x150] =	vst @!p1 v5;
	v5 =	vld @!p1 [tilespmem:$0x310]  }
.Ltmp0:
0xbd: {  	[tilespmem:$0x270] =	vst @!p1 v6;
	(pc) =	sbr.rel @p2 .LBB2_2-.Ltmp0, $4  }
0xbe: {  	[tilespmem:$0x160] =	vst @!p1 v7  }
0xbf: {  	[tilespmem:$0x280] =	vst @!p1 v8  }
0xc0: {  	s18 =	sadd.s32 @!p1 $0xFFFFFF80, s19;
	[tilespmem:$0x170] =	vst @!p1 v9  }
0xc1: {  	s18 =	smov.u32 @p1 s19;
	[tilespmem:$0x290] =	vst @!p1 v5  }
0xc2: {  	[tilespmem:s18+$0x100] =	vst v2  }
0xc3: {  	[tilespmem:s18+$0x220] =	vst v4  }
0xc4: {  	[tilespmem:s18+$0x110] =	vst v2  }
0xc5: {  	[tilespmem:s18+$0x230] =	vst v4  }
0xc6: {  	[tilespmem:s18+$0x120] =	vst v2  }
0xc7: {  	[tilespmem:s18+$0x240] =	vst v4  }
0xc8: {  	[tilespmem:s18+$0x130] =	vst v2  }
0xc9: {  	[tilespmem:s18+$0x250] =	vst v4  }
0xca: {  	[tilespmem:s18+$0x140] =	vst v2  }
0xcb: {  	[tilespmem:s18+$0x260] =	vst v4  }
0xcc: {  	[tilespmem:s18+$0x150] =	vst v2  }
0xcd: {  	[tilespmem:s18+$0x270] =	vst v4  }
0xce: {  	[tilespmem:s18+$0x160] =	vst v2  }
0xcf: {  	[tilespmem:s18+$0x280] =	vst v4  }
0xd0: {  	[tilespmem:s18+$0x170] =	vst v2  }
0xd1: {  	[tilespmem:s18+$0x290] =	vst v4  }
0xd2: {  	[tilespmem:s14], [sflag:$0x1] =	stream.indirect.gather [hbm4b:s4+s11], $0x40, s12, s11, $0xb8;
	[tilespmem:$0x1AB60] =	vst v63  }
0xd3: {  	_ =	swait.ge [sflag:s15], $0x2000  }
0xd4: {  	[sflag:s15] =	ssyncset.done $0x0  }
0xd5: {  	[sflag:s15] =	ssyncadd.s32 $0xFFFFE000  }
0xd6: {  	[spmem:s2] =	stream.indirect.scatter.add.f32 [tilespmem:s14], [sflag:$0x2], $0x40, s13, s11, $0xb8;
	[tilespmem:$0x1AB60] =	vst v63  }
0xd7: {  	_ =	swait.ge [sflag:s9], $0x2000  }
0xd8: {  	[sflag:s9] =	ssyncset.done $0x0  }
0xd9: {  	[sflag:s9] =	ssyncadd.s32 $0xFFFFE000  }
0xda: {  	v5 =	vld [tilespmem:$0x180]  }
0xdb: {  	v6 =	vld [tilespmem:$0x2A0]  }
0xdc: {  	v7 =	vld [tilespmem:$0x190]  }
0xdd: {  	v8 =	vld [tilespmem:$0x2B0]  }
0xde: {  	v9 =	vld [tilespmem:$0x1A0]  }
0xdf: {  	[tilespmem:$0x100] =	vst v5;
	v5 =	vld [tilespmem:$0x2C0]  }
0xe0: {  	v60 =	vld [tilespmem:$0x1C0];
	[tilespmem:$0x220] =	vst v6  }
0xe1: {  	v61 =	vld [tilespmem:$0x2E0];
	[tilespmem:$0x110] =	vst v7  }
0xe2: {  	v6 =	vld [tilespmem:$0x1B0];
	[tilespmem:$0x230] =	vst v8  }
0xe3: {  	v7 =	vld [tilespmem:$0x2D0];
	[tilespmem:$0x120] =	vst v9  }
0xe4: {  	[tilespmem:$0x240] =	vst v5;
	v5 =	vld [tilespmem:$0x1D0]  }
0xe5: {  	v62 =	vld [tilespmem:$0x300];
	[tilespmem:$0x140] =	vst v60  }
0xe6: {  	v63 =	vld [tilespmem:$0x1F0];
	[tilespmem:$0x260] =	vst v61  }
0xe7: {  	[tilespmem:$0x130] =	vst v6;
	v6 =	vld [tilespmem:$0x2F0]  }
0xe8: {  	[tilespmem:$0x250] =	vst v7;
	v7 =	vld [tilespmem:$0x1E0]  }
0xe9: {  	[tilespmem:$0x150] =	vst v5;
	v5 =	vld [tilespmem:$0x310]  }
0xea: {  	[tilespmem:$0x280] =	vst v62  }
0xeb: {  	[tilespmem:$0x170] =	vst v63  }
0xec: {  	[tilespmem:$0x270] =	vst v6  }
0xed: {  	s16 =	sadd.s32 $0x1, s16;
	[tilespmem:$0x160] =	vst v7  }
0xee: {  	p1 =	sne.s32 s16, s7;
	[tilespmem:$0x290] =	vst v5  }
.Ltmp1:
0xef: {  	[bflag:$0x0] =	sbarrier.arrive $0xFFFF;
	(pc) =	sbr.rel @p1 .LBB2_1-.Ltmp1, $4  }
0xf0: {  	[hbm:s6], [sflag:s5] =	dma.local [spmem:s8], $0x3100  }
0xf1: {  	_ =	swait.ge [sflag:s9], $0x3100  }
0xf2: {  	[sflag:s9] =	ssyncset.done $0x0  }
0xf3: {  	[sflag:s9] =	ssyncadd.s32 $0xFFFFCF00  }
0xf4: {  	_ =	sfence.sel $0x180000  }
0xf5: {  	[bflag:$0x0] =	sbarrier.arrive $0xFFFF  }
0xf6: {  	_ =	strace $0x90000047  }
0xf7: {  	s0 =	sadd.s32 @!p0 $0x100000, s1;
	[bflag:$0x2] =	sbarrier.arrive $0xFFFF  }
0xf8: {  	[sflag:s0] =	ssyncadd.tile.s32 @!p0 $0x1;
	_ =	shalt  }
.Lfunc_end2:
_tile_overlayer_lowered:
.L_overlay_start_2:
0xf9: {  	(tag) =	ssettag $0x2  }
0xfa: {  	s0 =	rddreg [dreg:$0x0];
	s2 =	stileid.u32  }
0xfb: {  	s1 =	rddreg [dreg:$0x1];
	p0 =	sne.s32 s2, $0x0  }
0xfc: {  	s3 =	rddreg [dreg:$0x2];
	[bflag:$0x3] =	sbarrier.arrive $0xFFFF;
	s2 =	simm.s32 @!p0 $0x1C02  }
0xfd: {  	[timem:s3], [sflag:s2] =	dma.local @!p0 [hbm:s0], s1  }
0xfe: {  	s0 =	simm.s32 @!p0 $0x2  }
0xff: {  	_ =	swait.ge @!p0 [sflag:s0], s1  }
0x100: {  	s1 =	ssub.s32 @!p0 $0x0, s1;
	[sflag:s0] =	ssyncset.done @!p0 $0x0  }
0x101: {  	[sflag:s0] =	ssyncadd.s32 @!p0 s1  }
0x102: {  	[bflag:$0x3] =	sbarrier.arrive $0xFFFF  }
0x103: {  	_ =	shalt  }

</sc_bundles>
